<compile_context>
chip_gen: v7x
topology: tpu7x:2x2x1
jax: 0.10.2.dev20260603
libtpu: 0.0.44.dev20260713+nightly
codegen_flags: <defaults>
</compile_context>

<pallas_src>
import functools

import jax
import jax.numpy as jnp
from jax import lax
from jax.experimental import pallas as pl
from jax.experimental.pallas import tpu as pltpu
from jax.experimental.pallas import tpu_sc as plsc

T = 4096
D = 768
E = 64
K = 2
F = 1024
CAP = 256
TRASH = E * CAP
NW = 32
TPW = T // NW
TCHUNK = 128
D2 = D // 2


def _pack_row(v):
    bits = jax.lax.bitcast_convert_type(v, jnp.int32) + 0x8000
    hi16 = jax.lax.shift_right_logical(bits, 16)
    lo = hi16[:, :D2] & 0xFFFF
    hi = jax.lax.shift_left(hi16[:, D2:], 16)
    return lo | hi


def _unpack_row(w):
    a = jax.lax.bitcast_convert_type(jax.lax.shift_left(w, 16), jnp.float32)
    b = jax.lax.bitcast_convert_type(w & jnp.int32(-65536), jnp.float32)
    return jnp.concatenate([a, b], axis=1)


_RTB = 512


def _router_body(x_ref, wr_ref, si0_ref, si1_ref, gi0_ref, gi1_ref, w_ref,
                 xpk_ref, off_ref):
    @pl.when(pl.program_id(0) == 0)
    def _init():
        off_ref[...] = jnp.zeros((1, E), jnp.float32)

    x = x_ref[...]
    xpk_ref[...] = _pack_row(x)
    logits = jnp.dot(x, wr_ref[...], preferred_element_type=jnp.float32)
    lanes = lax.broadcasted_iota(jnp.int32, logits.shape, 1)
    m0 = jnp.max(logits, axis=-1, keepdims=True)
    i0 = jnp.min(jnp.where(logits == m0, lanes, E), axis=-1, keepdims=True)
    neg = jnp.float32(-jnp.inf)
    p1 = jnp.where(lanes == i0, neg, logits)
    m1 = jnp.max(p1, axis=-1, keepdims=True)
    i1 = jnp.min(jnp.where(p1 == m1, lanes, E), axis=-1, keepdims=True)
    oh0 = (lanes == i0).astype(jnp.float32)
    oh1 = (lanes == i1).astype(jnp.float32)
    h = oh0 + oh1
    _B = 256
    rr = lax.broadcasted_iota(jnp.int32, (_B, _B), 0)
    cc = lax.broadcasted_iota(jnp.int32, (_B, _B), 1)
    tri = (rr > cc).astype(jnp.float32)
    parts = []
    off = off_ref[...]
    for b in range(_RTB // _B):
        hb = h[b * _B:(b + 1) * _B, :]
        parts.append(
            jnp.dot(tri, hb, preferred_element_type=jnp.float32) + off)
        off = off + jnp.sum(hb, axis=0, keepdims=True)
    off_ref[...] = off
    cex = jnp.concatenate(parts, axis=0)
    pos0 = jnp.sum(cex * oh0, axis=-1, keepdims=True).astype(jnp.int32)
    pos1 = jnp.sum(cex * oh1, axis=-1, keepdims=True).astype(jnp.int32)
    q = jnp.exp(m1 - m0)
    w1 = q / (1.0 + q)
    w0 = 1.0 - w1
    v0 = pos0 < CAP
    v1 = pos1 < CAP
    slot0 = i0 * CAP + jnp.minimum(pos0, CAP - 1)
    slot1 = i1 * CAP + jnp.minimum(pos1, CAP - 1)
    si0_ref[...] = jnp.where(v0, slot0, TRASH)
    si1_ref[...] = jnp.where(v1, slot1, TRASH)
    gi0_ref[...] = slot0
    gi1_ref[...] = slot1
    w_ref[...] = jnp.concatenate(
        [jnp.where(v0, w0, 0.0), jnp.where(v1, w1, 0.0)], axis=1)


def _router(x, w_router):
    return pl.pallas_call(
        _router_body,
        grid=(T // _RTB,),
        in_specs=[
            pl.BlockSpec((_RTB, D), lambda i: (i, 0)),
            pl.BlockSpec((D, E), lambda i: (0, 0)),
        ],
        out_specs=[
            pl.BlockSpec((_RTB, 1), lambda i: (i, 0)),
            pl.BlockSpec((_RTB, 1), lambda i: (i, 0)),
            pl.BlockSpec((_RTB, 1), lambda i: (i, 0)),
            pl.BlockSpec((_RTB, 1), lambda i: (i, 0)),
            pl.BlockSpec((_RTB, K), lambda i: (i, 0)),
            pl.BlockSpec((_RTB, D2), lambda i: (i, 0)),
        ],
        out_shape=[
            jax.ShapeDtypeStruct((T, 1), jnp.int32),
            jax.ShapeDtypeStruct((T, 1), jnp.int32),
            jax.ShapeDtypeStruct((T, 1), jnp.int32),
            jax.ShapeDtypeStruct((T, 1), jnp.int32),
            jax.ShapeDtypeStruct((T, K), jnp.float32),
            jax.ShapeDtypeStruct((T, D2), jnp.int32),
        ],
        scratch_shapes=[pltpu.VMEM((1, E), jnp.float32)],
    )(x, w_router)


def _dispatch_body(x_hbm, si0_hbm, si1_hbm, buf_hbm,
                   rows_v, i0_v, i1_v, sem0, sem1):
    wid = lax.axis_index("s") * 2 + lax.axis_index("c")
    tb = wid * TPW
    pltpu.sync_copy(x_hbm.at[pl.ds(tb, TCHUNK)], rows_v)
    pltpu.sync_copy(si0_hbm.at[pl.ds(tb, TCHUNK)], i0_v)
    pltpu.sync_copy(si1_hbm.at[pl.ds(tb, TCHUNK)], i1_v)
    c0 = pltpu.async_copy(rows_v, buf_hbm.at[i0_v], sem0)
    c1 = pltpu.async_copy(rows_v, buf_hbm.at[i1_v], sem1)
    c0.wait()
    c1.wait()


@functools.cache
def _make_dispatch():
    return pl.kernel(
        _dispatch_body,
        out_type=jax.ShapeDtypeStruct(((E + 1) * CAP, D2), jnp.int32),
        mesh=plsc.VectorSubcoreMesh(core_axis_name="c", subcore_axis_name="s"),
        scratch_types=[
            pltpu.VMEM((TCHUNK, D2), jnp.int32),
            pltpu.VMEM((TCHUNK,), jnp.int32),
            pltpu.VMEM((TCHUNK,), jnp.int32),
            pltpu.SemaphoreType.DMA,
            pltpu.SemaphoreType.DMA,
        ],
    )


def _mlp_body(buf_ref, wu_ref, wd_ref, y_ref):
    h = jnp.maximum(
        jnp.dot(_unpack_row(buf_ref[...]), wu_ref[0],
                preferred_element_type=jnp.float32),
        0.0)
    y_ref[...] = _pack_row(
        jnp.dot(h, wd_ref[0], preferred_element_type=jnp.float32))


def _mlp(buf, w_up, w_down):
    return pl.pallas_call(
        _mlp_body,
        grid=(E,),
        in_specs=[
            pl.BlockSpec((CAP, D2), lambda e: (e, 0)),
            pl.BlockSpec((1, D, F), lambda e: (e, 0, 0)),
            pl.BlockSpec((1, F, D), lambda e: (e, 0, 0)),
        ],
        out_specs=pl.BlockSpec((CAP, D2), lambda e: (e, 0)),
        out_shape=jax.ShapeDtypeStruct((E * CAP, D2), jnp.int32),
    )(buf, w_up, w_down)


def _gather_body(y_hbm, gi0_hbm, gi1_hbm, r0_hbm, r1_hbm,
                 rows0_v, rows1_v, i0_v, i1_v, sem0, sem1):
    wid = lax.axis_index("s") * 2 + lax.axis_index("c")
    tb = wid * TPW
    pltpu.sync_copy(gi0_hbm.at[pl.ds(tb, TCHUNK)], i0_v)
    pltpu.sync_copy(gi1_hbm.at[pl.ds(tb, TCHUNK)], i1_v)
    g0 = pltpu.async_copy(y_hbm.at[i0_v], rows0_v, sem0)
    g1 = pltpu.async_copy(y_hbm.at[i1_v], rows1_v, sem1)
    g0.wait()
    o0 = pltpu.async_copy(rows0_v, r0_hbm.at[pl.ds(tb, TCHUNK)], sem0)
    g1.wait()
    o1 = pltpu.async_copy(rows1_v, r1_hbm.at[pl.ds(tb, TCHUNK)], sem1)
    o0.wait()
    o1.wait()


@functools.cache
def _make_gather_pairs():
    return pl.kernel(
        _gather_body,
        out_type=[
            jax.ShapeDtypeStruct((T, D2), jnp.int32),
            jax.ShapeDtypeStruct((T, D2), jnp.int32),
        ],
        mesh=plsc.VectorSubcoreMesh(core_axis_name="c", subcore_axis_name="s"),
        scratch_types=[
            pltpu.VMEM((TCHUNK, D2), jnp.int32),
            pltpu.VMEM((TCHUNK, D2), jnp.int32),
            pltpu.VMEM((TCHUNK,), jnp.int32),
            pltpu.VMEM((TCHUNK,), jnp.int32),
            pltpu.SemaphoreType.DMA,
            pltpu.SemaphoreType.DMA,
        ],
    )


_CTB = 512


def _combine_body(r0_ref, r1_ref, w_ref, out_ref):
    w0 = w_ref[:, 0:1]
    w1 = w_ref[:, 1:2]
    r0 = _unpack_row(r0_ref[...])
    r1 = _unpack_row(r1_ref[...])
    out_ref[...] = (jnp.where(w0 == 0.0, 0.0, w0 * r0)
                    + jnp.where(w1 == 0.0, 0.0, w1 * r1))


def _combine(r0, r1, w):
    return pl.pallas_call(
        _combine_body,
        grid=(T // _CTB,),
        in_specs=[
            pl.BlockSpec((_CTB, D2), lambda i: (i, 0)),
            pl.BlockSpec((_CTB, D2), lambda i: (i, 0)),
            pl.BlockSpec((_CTB, K), lambda i: (i, 0)),
        ],
        out_specs=pl.BlockSpec((_CTB, D), lambda i: (i, 0)),
        out_shape=jax.ShapeDtypeStruct((T, D), jnp.float32),
    )(r0, r1, w)


def kernel(hidden_states, w_router, w_up, w_down):
    si0, si1, gi0, gi1, w, xpk = _router(hidden_states, w_router)
    buf = _make_dispatch()(xpk, si0.reshape(-1), si1.reshape(-1))
    y = _mlp(buf, w_up, w_down)
    r0, r1 = _make_gather_pairs()(y, gi0.reshape(-1), gi1.reshape(-1))
    return _combine(r0, r1, w)

# --- scband reference (transcript-rebuilt; emitter-appended) ---
"""Pipeline reference for scband-base-moe-module-19378892440175 (READ-ONLY COPY).

The authoritative reference and input builder live on the scoring server;
editing this copy changes nothing except your own understanding.
"""

import jax, jax.numpy as jnp
import numpy as np

T = 4096      # batch(2) * seq_len(2048) flattened tokens
D = 768       # hidden_size
E = 64        # n_routed_experts
K = 2         # num_experts_per_tok
F = 1024      # moe_intermediate_size
CAP = 256     # capacity = 2 * T * K / E (capacity factor 2.0)


def setup_inputs(seed: int = 0) -> dict:
    key = jax.random.key(seed)
    k1, k2, k3, k4 = jax.random.split(key, 4)
    hidden_states = jax.random.normal(k1, (T, D), dtype=jnp.float32)
    w_router = jax.random.normal(k2, (D, E), dtype=jnp.float32) * 0.02
    w_up = jax.random.normal(k3, (E, D, F), dtype=jnp.float32) * 0.02
    w_down = jax.random.normal(k4, (E, F, D), dtype=jnp.float32) * 0.02
    return {"hidden_states": hidden_states, "w_router": w_router, "w_up": w_up, "w_down": w_down}


def _moe_forward(x, w_router, w_up, w_down):
    t, d = x.shape
    e = w_router.shape[1]
    # Router: logits -> softmax probs -> TOP_K routing (weights renormalized)
    logits = x @ w_router
    probs = jax.nn.softmax(logits.astype(jnp.float32), axis=-1)
    sel_w, sel_e = jax.lax.top_k(probs, K)
    sel_w = sel_w / jnp.sum(sel_w, axis=-1, keepdims=True)
    flat_e = sel_e.reshape(-1)               # [T*K] expert ids (int32)
    flat_w = sel_w.reshape(-1)               # [T*K] combine weights
    token_ids = jnp.repeat(jnp.arange(t), K) # [T*K]
    # Position of each (token, expert) pair inside its expert's capacity buffer
    one_hot = jax.nn.one_hot(flat_e, e, dtype=jnp.int32)
    pos = jnp.sum(jnp.cumsum(one_hot, axis=0) * one_hot, axis=-1) - 1
    valid = ((pos >= 0) & (pos < CAP)).astype(x.dtype)
    pos_c = jnp.clip(pos, 0, CAP - 1)
    # Dispatch: gather tokens, scatter-add into per-expert capacity buffers
    x_rep = jnp.take(x, token_ids, axis=0)   # gather [T*K, D]
    buf = jnp.zeros((e, CAP, d), dtype=x.dtype).at[flat_e, pos_c].add(x_rep * valid[:, None])
    # Expert MLP (grouped matmul over experts, emulating megablox gmm)
    h = jax.nn.relu(jnp.einsum('ecd,edf->ecf', buf, w_up))
    y = jnp.einsum('ecf,efd->ecd', h, w_down)
    # Combine: gather expert outputs back per pair, weight, scatter-add to tokens
    out_pairs = y[flat_e, pos_c] * (flat_w * valid)[:, None]
    out = jnp.zeros((t, d), dtype=x.dtype).at[token_ids].add(out_pairs)
    return out


def reference(hidden_states, w_router, w_up, w_down):
    return _moe_forward(hidden_states, w_router, w_up, w_down)

if __name__ == "__main__":
    import jax
    _d = setup_inputs()
    print(jax.jit(kernel)(*tuple(_d.values())))

</pallas_src>

<mosaic_0001>
#map = affine_map<(d0, d1) -> (0, 0)>
#map1 = affine_map<(d0, d1) -> (0)>
module attributes {stable_mosaic.version = 14 : i64} {
  func.func @_dispatch_body(%arg0: i32, %arg1: i32, %arg2: memref<4096x384xi32, #tpu.memory_space<hbm>>, %arg3: memref<4096xi32, #tpu.memory_space<hbm>>, %arg4: memref<4096xi32, #tpu.memory_space<hbm>>, %arg5: memref<16640x384xi32, #tpu.memory_space<hbm>>, %arg6: memref<128x384xi32, #tpu.memory_space<vmem>>, %arg7: memref<128xi32, #tpu.memory_space<vmem>>, %arg8: memref<128xi32, #tpu.memory_space<vmem>>, %arg9: memref<!tpu.dma_semaphore, #tpu.memory_space<semaphore_mem>>, %arg10: memref<!tpu.dma_semaphore, #tpu.memory_space<semaphore_mem>>) attributes {dimension_semantics = [#tpu.dimension_semantics<core_parallel>, #tpu.dimension_semantics<subcore_parallel>], iteration_bounds = array<i64: 2, 16>, scalar_prefetch = 0 : i64, scratch_operands = 5 : i64, tpu.core_type = #tpu.core_type<sc_vector_subcore>, window_params = [{transform_indices = #map}, {transform_indices = #map1}, {transform_indices = #map1}, {transform_indices = #map}]} {
    %mul3A = arith.constant 2 : i32
    %mul3A_0 = arith.muli %arg1, %mul3A : i32
    %add3A = arith.addi %mul3A_0, %arg0 : i32
    %mul3A_1 = arith.constant 128 : i32
    %mul3A_2 = arith.muli %add3A, %mul3A_1 : i32
    "tpu.region"() ({
      %run_scoped3A = tpu.sem_alloc : memref<!tpu.dma_semaphore, #tpu.memory_space<semaphore_mem>>
      %dma_start3A_13 = arith.constant 0 : i32
      %dma_start3A_14 = tpu.memref_slice %arg2[%mul3A_2, %dma_start3A_13] : memref<4096x384xi32, #tpu.memory_space<hbm>> -> memref<128x384xi32, #tpu.memory_space<hbm>>
      %dma_start3A_15 = arith.constant 0 : i32
      %dma_start3A_16 = tpu.memref_slice %arg2[%mul3A_2, %dma_start3A_15] : memref<4096x384xi32, #tpu.memory_space<hbm>> -> memref<128x384xi32, #tpu.memory_space<hbm>>
      tpu.enqueue_dma source(%dma_start3A_16 : memref<128x384xi32, #tpu.memory_space<hbm>>) target(%arg6 : memref<128x384xi32, #tpu.memory_space<vmem>>) target_semaphore(%run_scoped3A : memref<!tpu.dma_semaphore, #tpu.memory_space<semaphore_mem>>)
      %dma_wait3A_17 = arith.constant 0 : i32
      %dma_wait3A_18 = tpu.memref_slice %arg2[%mul3A_2, %dma_wait3A_17] : memref<4096x384xi32, #tpu.memory_space<hbm>> -> memref<128x384xi32, #tpu.memory_space<hbm>>
      %dma_wait3A_19 = arith.constant 0 : i32
      %dma_wait3A_20 = tpu.memref_slice %arg2[%mul3A_2, %dma_wait3A_19] : memref<4096x384xi32, #tpu.memory_space<hbm>> -> memref<128x384xi32, #tpu.memory_space<hbm>>
      tpu.wait_dma2 semaphore(%run_scoped3A : memref<!tpu.dma_semaphore, #tpu.memory_space<semaphore_mem>>) src(%dma_wait3A_20 : memref<128x384xi32, #tpu.memory_space<hbm>>) dst(%arg6 : memref<128x384xi32, #tpu.memory_space<vmem>>)
      tpu.yield
    }) : () -> ()
    "tpu.region"() ({
      %run_scoped3A = tpu.sem_alloc : memref<!tpu.dma_semaphore, #tpu.memory_space<semaphore_mem>>
      %dma_start3A_13 = tpu.memref_slice %arg3[%mul3A_2] : memref<4096xi32, #tpu.memory_space<hbm>> -> memref<128xi32, #tpu.memory_space<hbm>>
      %dma_start3A_14 = tpu.memref_slice %arg3[%mul3A_2] : memref<4096xi32, #tpu.memory_space<hbm>> -> memref<128xi32, #tpu.memory_space<hbm>>
      tpu.enqueue_dma source(%dma_start3A_14 : memref<128xi32, #tpu.memory_space<hbm>>) target(%arg7 : memref<128xi32, #tpu.memory_space<vmem>>) target_semaphore(%run_scoped3A : memref<!tpu.dma_semaphore, #tpu.memory_space<semaphore_mem>>)
      %dma_wait3A_15 = tpu.memref_slice %arg3[%mul3A_2] : memref<4096xi32, #tpu.memory_space<hbm>> -> memref<128xi32, #tpu.memory_space<hbm>>
      %dma_wait3A_16 = tpu.memref_slice %arg3[%mul3A_2] : memref<4096xi32, #tpu.memory_space<hbm>> -> memref<128xi32, #tpu.memory_space<hbm>>
      tpu.wait_dma2 semaphore(%run_scoped3A : memref<!tpu.dma_semaphore, #tpu.memory_space<semaphore_mem>>) src(%dma_wait3A_16 : memref<128xi32, #tpu.memory_space<hbm>>) dst(%arg7 : memref<128xi32, #tpu.memory_space<vmem>>)
      tpu.yield
    }) : () -> ()
    "tpu.region"() ({
      %run_scoped3A = tpu.sem_alloc : memref<!tpu.dma_semaphore, #tpu.memory_space<semaphore_mem>>
      %dma_start3A_13 = tpu.memref_slice %arg4[%mul3A_2] : memref<4096xi32, #tpu.memory_space<hbm>> -> memref<128xi32, #tpu.memory_space<hbm>>
      %dma_start3A_14 = tpu.memref_slice %arg4[%mul3A_2] : memref<4096xi32, #tpu.memory_space<hbm>> -> memref<128xi32, #tpu.memory_space<hbm>>
      tpu.enqueue_dma source(%dma_start3A_14 : memref<128xi32, #tpu.memory_space<hbm>>) target(%arg8 : memref<128xi32, #tpu.memory_space<vmem>>) target_semaphore(%run_scoped3A : memref<!tpu.dma_semaphore, #tpu.memory_space<semaphore_mem>>)
      %dma_wait3A_15 = tpu.memref_slice %arg4[%mul3A_2] : memref<4096xi32, #tpu.memory_space<hbm>> -> memref<128xi32, #tpu.memory_space<hbm>>
      %dma_wait3A_16 = tpu.memref_slice %arg4[%mul3A_2] : memref<4096xi32, #tpu.memory_space<hbm>> -> memref<128xi32, #tpu.memory_space<hbm>>
      tpu.wait_dma2 semaphore(%run_scoped3A : memref<!tpu.dma_semaphore, #tpu.memory_space<semaphore_mem>>) src(%dma_wait3A_16 : memref<128xi32, #tpu.memory_space<hbm>>) dst(%arg8 : memref<128xi32, #tpu.memory_space<vmem>>)
      tpu.yield
    }) : () -> ()
    %dma_start3A = arith.constant 0 : i32
    %dma_start3A_3 = arith.constant 0 : i32
    %dma_start3A_4 = tpu.memref_slice %arg5[%dma_start3A, %dma_start3A_3] : memref<16640x384xi32, #tpu.memory_space<hbm>> -> memref<16640x384xi32, #tpu.memory_space<hbm>>
    tpu.enqueue_indirect_dma source(%arg6 : memref<128x384xi32, #tpu.memory_space<vmem>>) target(%dma_start3A_4 : memref<16640x384xi32, #tpu.memory_space<hbm>>) offsets(%arg7 : memref<128xi32, #tpu.memory_space<vmem>>) semaphore(%arg9 : memref<!tpu.dma_semaphore, #tpu.memory_space<semaphore_mem>>)
    %dma_start3A_5 = arith.constant 0 : i32
    %dma_start3A_6 = arith.constant 0 : i32
    %dma_start3A_7 = tpu.memref_slice %arg5[%dma_start3A_5, %dma_start3A_6] : memref<16640x384xi32, #tpu.memory_space<hbm>> -> memref<16640x384xi32, #tpu.memory_space<hbm>>
    tpu.enqueue_indirect_dma source(%arg6 : memref<128x384xi32, #tpu.memory_space<vmem>>) target(%dma_start3A_7 : memref<16640x384xi32, #tpu.memory_space<hbm>>) offsets(%arg8 : memref<128xi32, #tpu.memory_space<vmem>>) semaphore(%arg10 : memref<!tpu.dma_semaphore, #tpu.memory_space<semaphore_mem>>)
    %dma_wait3A = arith.constant 0 : i32
    %dma_wait3A_8 = arith.constant 0 : i32
    %dma_wait3A_9 = tpu.memref_slice %arg5[%dma_wait3A, %dma_wait3A_8] : memref<16640x384xi32, #tpu.memory_space<hbm>> -> memref<16640x384xi32, #tpu.memory_space<hbm>>
    tpu.wait_indirect_dma semaphore(%arg9 : memref<!tpu.dma_semaphore, #tpu.memory_space<semaphore_mem>>) src(%arg6 : memref<128x384xi32, #tpu.memory_space<vmem>>) dst(%dma_wait3A_9 : memref<16640x384xi32, #tpu.memory_space<hbm>>)
    %dma_wait3A_10 = arith.constant 0 : i32
    %dma_wait3A_11 = arith.constant 0 : i32
    %dma_wait3A_12 = tpu.memref_slice %arg5[%dma_wait3A_10, %dma_wait3A_11] : memref<16640x384xi32, #tpu.memory_space<hbm>> -> memref<16640x384xi32, #tpu.memory_space<hbm>>
    tpu.wait_indirect_dma semaphore(%arg10 : memref<!tpu.dma_semaphore, #tpu.memory_space<semaphore_mem>>) src(%arg6 : memref<128x384xi32, #tpu.memory_space<vmem>>) dst(%dma_wait3A_12 : memref<16640x384xi32, #tpu.memory_space<hbm>>)
    return
  }
}

#map = affine_map<(d0, d1) -> (0, 0)>
#map1 = affine_map<(d0, d1) -> (0)>
module attributes {stable_mosaic.version = 14 : i64} {
  func.func @_gather_body(%arg0: i32, %arg1: i32, %arg2: memref<16384x384xi32, #tpu.memory_space<hbm>>, %arg3: memref<4096xi32, #tpu.memory_space<hbm>>, %arg4: memref<4096xi32, #tpu.memory_space<hbm>>, %arg5: memref<4096x384xi32, #tpu.memory_space<hbm>>, %arg6: memref<4096x384xi32, #tpu.memory_space<hbm>>, %arg7: memref<128x384xi32, #tpu.memory_space<vmem>>, %arg8: memref<128x384xi32, #tpu.memory_space<vmem>>, %arg9: memref<128xi32, #tpu.memory_space<vmem>>, %arg10: memref<128xi32, #tpu.memory_space<vmem>>, %arg11: memref<!tpu.dma_semaphore, #tpu.memory_space<semaphore_mem>>, %arg12: memref<!tpu.dma_semaphore, #tpu.memory_space<semaphore_mem>>) attributes {dimension_semantics = [#tpu.dimension_semantics<core_parallel>, #tpu.dimension_semantics<subcore_parallel>], iteration_bounds = array<i64: 2, 16>, scalar_prefetch = 0 : i64, scratch_operands = 6 : i64, tpu.core_type = #tpu.core_type<sc_vector_subcore>, window_params = [{transform_indices = #map}, {transform_indices = #map1}, {transform_indices = #map1}, {transform_indices = #map}, {transform_indices = #map}]} {
    %mul3A = arith.constant 2 : i32
    %mul3A_0 = arith.muli %arg1, %mul3A : i32
    %add3A = arith.addi %mul3A_0, %arg0 : i32
    %mul3A_1 = arith.constant 128 : i32
    %mul3A_2 = arith.muli %add3A, %mul3A_1 : i32
    "tpu.region"() ({
      %run_scoped3A = tpu.sem_alloc : memref<!tpu.dma_semaphore, #tpu.memory_space<semaphore_mem>>
      %dma_start3A_29 = tpu.memref_slice %arg3[%mul3A_2] : memref<4096xi32, #tpu.memory_space<hbm>> -> memref<128xi32, #tpu.memory_space<hbm>>
      %dma_start3A_30 = tpu.memref_slice %arg3[%mul3A_2] : memref<4096xi32, #tpu.memory_space<hbm>> -> memref<128xi32, #tpu.memory_space<hbm>>
      tpu.enqueue_dma source(%dma_start3A_30 : memref<128xi32, #tpu.memory_space<hbm>>) target(%arg9 : memref<128xi32, #tpu.memory_space<vmem>>) target_semaphore(%run_scoped3A : memref<!tpu.dma_semaphore, #tpu.memory_space<semaphore_mem>>)
      %dma_wait3A_31 = tpu.memref_slice %arg3[%mul3A_2] : memref<4096xi32, #tpu.memory_space<hbm>> -> memref<128xi32, #tpu.memory_space<hbm>>
      %dma_wait3A_32 = tpu.memref_slice %arg3[%mul3A_2] : memref<4096xi32, #tpu.memory_space<hbm>> -> memref<128xi32, #tpu.memory_space<hbm>>
      tpu.wait_dma2 semaphore(%run_scoped3A : memref<!tpu.dma_semaphore, #tpu.memory_space<semaphore_mem>>) src(%dma_wait3A_32 : memref<128xi32, #tpu.memory_space<hbm>>) dst(%arg9 : memref<128xi32, #tpu.memory_space<vmem>>)
      tpu.yield
    }) : () -> ()
    "tpu.region"() ({
      %run_scoped3A = tpu.sem_alloc : memref<!tpu.dma_semaphore, #tpu.memory_space<semaphore_mem>>
      %dma_start3A_29 = tpu.memref_slice %arg4[%mul3A_2] : memref<4096xi32, #tpu.memory_space<hbm>> -> memref<128xi32, #tpu.memory_space<hbm>>
      %dma_start3A_30 = tpu.memref_slice %arg4[%mul3A_2] : memref<4096xi32, #tpu.memory_space<hbm>> -> memref<128xi32, #tpu.memory_space<hbm>>
      tpu.enqueue_dma source(%dma_start3A_30 : memref<128xi32, #tpu.memory_space<hbm>>) target(%arg10 : memref<128xi32, #tpu.memory_space<vmem>>) target_semaphore(%run_scoped3A : memref<!tpu.dma_semaphore, #tpu.memory_space<semaphore_mem>>)
      %dma_wait3A_31 = tpu.memref_slice %arg4[%mul3A_2] : memref<4096xi32, #tpu.memory_space<hbm>> -> memref<128xi32, #tpu.memory_space<hbm>>
      %dma_wait3A_32 = tpu.memref_slice %arg4[%mul3A_2] : memref<4096xi32, #tpu.memory_space<hbm>> -> memref<128xi32, #tpu.memory_space<hbm>>
      tpu.wait_dma2 semaphore(%run_scoped3A : memref<!tpu.dma_semaphore, #tpu.memory_space<semaphore_mem>>) src(%dma_wait3A_32 : memref<128xi32, #tpu.memory_space<hbm>>) dst(%arg10 : memref<128xi32, #tpu.memory_space<vmem>>)
      tpu.yield
    }) : () -> ()
    %dma_start3A = arith.constant 0 : i32
    %dma_start3A_3 = arith.constant 0 : i32
    %dma_start3A_4 = tpu.memref_slice %arg2[%dma_start3A, %dma_start3A_3] : memref<16384x384xi32, #tpu.memory_space<hbm>> -> memref<16384x384xi32, #tpu.memory_space<hbm>>
    tpu.enqueue_indirect_dma source(%dma_start3A_4 : memref<16384x384xi32, #tpu.memory_space<hbm>>) target(%arg7 : memref<128x384xi32, #tpu.memory_space<vmem>>) offsets(%arg9 : memref<128xi32, #tpu.memory_space<vmem>>) semaphore(%arg11 : memref<!tpu.dma_semaphore, #tpu.memory_space<semaphore_mem>>)
    %dma_start3A_5 = arith.constant 0 : i32
    %dma_start3A_6 = arith.constant 0 : i32
    %dma_start3A_7 = tpu.memref_slice %arg2[%dma_start3A_5, %dma_start3A_6] : memref<16384x384xi32, #tpu.memory_space<hbm>> -> memref<16384x384xi32, #tpu.memory_space<hbm>>
    tpu.enqueue_indirect_dma source(%dma_start3A_7 : memref<16384x384xi32, #tpu.memory_space<hbm>>) target(%arg8 : memref<128x384xi32, #tpu.memory_space<vmem>>) offsets(%arg10 : memref<128xi32, #tpu.memory_space<vmem>>) semaphore(%arg12 : memref<!tpu.dma_semaphore, #tpu.memory_space<semaphore_mem>>)
    %dma_wait3A = arith.constant 0 : i32
    %dma_wait3A_8 = arith.constant 0 : i32
    %dma_wait3A_9 = tpu.memref_slice %arg2[%dma_wait3A, %dma_wait3A_8] : memref<16384x384xi32, #tpu.memory_space<hbm>> -> memref<16384x384xi32, #tpu.memory_space<hbm>>
    tpu.wait_indirect_dma semaphore(%arg11 : memref<!tpu.dma_semaphore, #tpu.memory_space<semaphore_mem>>) src(%dma_wait3A_9 : memref<16384x384xi32, #tpu.memory_space<hbm>>) dst(%arg7 : memref<128x384xi32, #tpu.memory_space<vmem>>)
    %dma_start3A_10 = arith.constant 0 : i32
    %dma_start3A_11 = tpu.memref_slice %arg5[%mul3A_2, %dma_start3A_10] : memref<4096x384xi32, #tpu.memory_space<hbm>> -> memref<128x384xi32, #tpu.memory_space<hbm>>
    %dma_start3A_12 = arith.constant 0 : i32
    %dma_start3A_13 = tpu.memref_slice %arg5[%mul3A_2, %dma_start3A_12] : memref<4096x384xi32, #tpu.memory_space<hbm>> -> memref<128x384xi32, #tpu.memory_space<hbm>>
    tpu.enqueue_dma source(%arg7 : memref<128x384xi32, #tpu.memory_space<vmem>>) target(%dma_start3A_13 : memref<128x384xi32, #tpu.memory_space<hbm>>) target_semaphore(%arg11 : memref<!tpu.dma_semaphore, #tpu.memory_space<semaphore_mem>>)
    %dma_wait3A_14 = arith.constant 0 : i32
    %dma_wait3A_15 = arith.constant 0 : i32
    %dma_wait3A_16 = tpu.memref_slice %arg2[%dma_wait3A_14, %dma_wait3A_15] : memref<16384x384xi32, #tpu.memory_space<hbm>> -> memref<16384x384xi32, #tpu.memory_space<hbm>>
    tpu.wait_indirect_dma semaphore(%arg12 : memref<!tpu.dma_semaphore, #tpu.memory_space<semaphore_mem>>) src(%dma_wait3A_16 : memref<16384x384xi32, #tpu.memory_space<hbm>>) dst(%arg8 : memref<128x384xi32, #tpu.memory_space<vmem>>)
    %dma_start3A_17 = arith.constant 0 : i32
    %dma_start3A_18 = tpu.memref_slice %arg6[%mul3A_2, %dma_start3A_17] : memref<4096x384xi32, #tpu.memory_space<hbm>> -> memref<128x384xi32, #tpu.memory_space<hbm>>
    %dma_start3A_19 = arith.constant 0 : i32
    %dma_start3A_20 = tpu.memref_slice %arg6[%mul3A_2, %dma_start3A_19] : memref<4096x384xi32, #tpu.memory_space<hbm>> -> memref<128x384xi32, #tpu.memory_space<hbm>>
    tpu.enqueue_dma source(%arg8 : memref<128x384xi32, #tpu.memory_space<vmem>>) target(%dma_start3A_20 : memref<128x384xi32, #tpu.memory_space<hbm>>) target_semaphore(%arg12 : memref<!tpu.dma_semaphore, #tpu.memory_space<semaphore_mem>>)
    %dma_wait3A_21 = arith.constant 0 : i32
    %dma_wait3A_22 = tpu.memref_slice %arg5[%mul3A_2, %dma_wait3A_21] : memref<4096x384xi32, #tpu.memory_space<hbm>> -> memref<128x384xi32, #tpu.memory_space<hbm>>
    %dma_wait3A_23 = arith.constant 0 : i32
    %dma_wait3A_24 = tpu.memref_slice %arg5[%mul3A_2, %dma_wait3A_23] : memref<4096x384xi32, #tpu.memory_space<hbm>> -> memref<128x384xi32, #tpu.memory_space<hbm>>
    tpu.wait_dma2 semaphore(%arg11 : memref<!tpu.dma_semaphore, #tpu.memory_space<semaphore_mem>>) src(%arg7 : memref<128x384xi32, #tpu.memory_space<vmem>>) dst(%dma_wait3A_24 : memref<128x384xi32, #tpu.memory_space<hbm>>)
    %dma_wait3A_25 = arith.constant 0 : i32
    %dma_wait3A_26 = tpu.memref_slice %arg6[%mul3A_2, %dma_wait3A_25] : memref<4096x384xi32, #tpu.memory_space<hbm>> -> memref<128x384xi32, #tpu.memory_space<hbm>>
    %dma_wait3A_27 = arith.constant 0 : i32
    %dma_wait3A_28 = tpu.memref_slice %arg6[%mul3A_2, %dma_wait3A_27] : memref<4096x384xi32, #tpu.memory_space<hbm>> -> memref<128x384xi32, #tpu.memory_space<hbm>>
    tpu.wait_dma2 semaphore(%arg12 : memref<!tpu.dma_semaphore, #tpu.memory_space<semaphore_mem>>) src(%arg8 : memref<128x384xi32, #tpu.memory_space<vmem>>) dst(%dma_wait3A_28 : memref<128x384xi32, #tpu.memory_space<hbm>>)
    return
  }
}

module attributes {stable_mosaic.version = 14 : i64} {
  func.func @_mlp_body(%arg0: i32, %arg1: memref<256x384xi32, #tpu.memory_space<vmem>>, %arg2: memref<1x768x1024xf32, #tpu.memory_space<vmem>>, %arg3: memref<1x1024x768xf32, #tpu.memory_space<vmem>>, %arg4: memref<256x384xi32, #tpu.memory_space<vmem>>) attributes {dimension_semantics = [#tpu.dimension_semantics<arbitrary>], iteration_bounds = array<i64: 64>, scalar_prefetch = 0 : i64, scratch_operands = 0 : i64, tpu.core_type = #tpu.core_type<tc>, window_params = [{transform_indices = @transform_0, window_bounds = array<i64: 256, 384>}, {transform_indices = @transform_1, window_bounds = array<i64: 1, 768, 1024>}, {transform_indices = @transform_2, window_bounds = array<i64: 1, 1024, 768>}, {transform_indices = @transform_3, window_bounds = array<i64: 256, 384>}]} {
    %get3A = arith.constant 0 : index
    %get3A_0 = arith.constant 0 : index
    %get3A_1 = vector.load %arg1[%get3A, %get3A_0] : memref<256x384xi32, #tpu.memory_space<vmem>>, vector<256x384xi32>
    %shift_left3A = arith.constant 16 : i32
    %shift_left3A_2 = vector.broadcast %shift_left3A : i32 to vector<256x384xi32>
    %shift_left3A_3 = arith.shli %get3A_1, %shift_left3A_2 : vector<256x384xi32>
    %bitcast_convert_type3A = tpu.bitcast %shift_left3A_3 : vector<256x384xi32> -> vector<256x384xf32>
    %and3A = arith.constant -65536 : i32
    %and3A_4 = vector.broadcast %and3A : i32 to vector<256x384xi32>
    %and3A_5 = arith.andi %get3A_1, %and3A_4 : vector<256x384xi32>
    %bitcast_convert_type3A_6 = tpu.bitcast %and3A_5 : vector<256x384xi32> -> vector<256x384xf32>
    %concatenate3A = tpu.concatenate %bitcast_convert_type3A, %bitcast_convert_type3A_6 in 1 : vector<256x384xf32>, vector<256x384xf32> -> vector<256x768xf32>
    %get3A_7 = arith.constant 0 : index
    %get3A_8 = arith.constant 0 : index
    %get3A_9 = arith.constant 0 : index
    %get3A_10 = vector.load %arg2[%get3A_7, %get3A_8, %get3A_9] : memref<1x768x1024xf32, #tpu.memory_space<vmem>>, vector<1x768x1024xf32>
    %get3A_11 = vector.shape_cast %get3A_10 : vector<1x768x1024xf32> to vector<768x1024xf32>
    %dot_general3A = arith.constant dense<0.000000e+00> : vector<256x1024xf32>
    %dot_general3A_12 = tpu.matmul %concatenate3A, %get3A_11, %dot_general3A {dimension_numbers = #tpu.dot_dimension_numbers<[1], [0], [0], [1], [0, 0, 1, 1], [], []>, transpose_lhs_hint = false} : vector<256x768xf32>, vector<768x1024xf32>, vector<256x1024xf32> -> vector<256x1024xf32>
    %max3A = arith.constant 0.000000e+00 : f32
    %max3A_13 = vector.broadcast %max3A : f32 to vector<256x1024xf32>
    %max3A_14 = arith.maximumf %dot_general3A_12, %max3A_13 : vector<256x1024xf32>
    %get3A_15 = arith.constant 0 : index
    %get3A_16 = arith.constant 0 : index
    %get3A_17 = arith.constant 0 : index
    %get3A_18 = vector.load %arg3[%get3A_15, %get3A_16, %get3A_17] : memref<1x1024x768xf32, #tpu.memory_space<vmem>>, vector<1x1024x768xf32>
    %get3A_19 = vector.shape_cast %get3A_18 : vector<1x1024x768xf32> to vector<1024x768xf32>
    %dot_general3A_20 = arith.constant dense<0.000000e+00> : vector<256x768xf32>
    %dot_general3A_21 = tpu.matmul %max3A_14, %get3A_19, %dot_general3A_20 {dimension_numbers = #tpu.dot_dimension_numbers<[1], [0], [0], [1], [0, 0, 1, 1], [], []>, transpose_lhs_hint = false} : vector<256x1024xf32>, vector<1024x768xf32>, vector<256x768xf32> -> vector<256x768xf32>
    %bitcast_convert_type3A_22 = tpu.bitcast %dot_general3A_21 : vector<256x768xf32> -> vector<256x768xi32>
    %add3A = arith.constant 32768 : i32
    %add3A_23 = vector.broadcast %add3A : i32 to vector<256x768xi32>
    %add3A_24 = arith.addi %bitcast_convert_type3A_22, %add3A_23 : vector<256x768xi32>
    %shift_right_logical3A = arith.constant 16 : i32
    %shift_right_logical3A_25 = vector.broadcast %shift_right_logical3A : i32 to vector<256x768xi32>
    %shift_right_logical3A_26 = arith.shrui %add3A_24, %shift_right_logical3A_25 : vector<256x768xi32>
    %slice3A = vector.extract_strided_slice %shift_right_logical3A_26 {offsets = [0, 0], sizes = [256, 384], strides = [1, 1]} : vector<256x768xi32> to vector<256x384xi32>
    %and3A_27 = arith.constant 65535 : i32
    %and3A_28 = vector.broadcast %and3A_27 : i32 to vector<256x384xi32>
    %and3A_29 = arith.andi %slice3A, %and3A_28 : vector<256x384xi32>
    %slice3A_30 = vector.extract_strided_slice %shift_right_logical3A_26 {offsets = [0, 384], sizes = [256, 384], strides = [1, 1]} : vector<256x768xi32> to vector<256x384xi32>
    %shift_left3A_31 = arith.constant 16 : i32
    %shift_left3A_32 = vector.broadcast %shift_left3A_31 : i32 to vector<256x384xi32>
    %shift_left3A_33 = arith.shli %slice3A_30, %shift_left3A_32 : vector<256x384xi32>
    %or3A = arith.ori %and3A_29, %shift_left3A_33 : vector<256x384xi32>
    %swap3A = arith.constant 0 : index
    %swap3A_34 = arith.constant 0 : index
    %swap3A_35 = vector.load %arg4[%swap3A, %swap3A_34] : memref<256x384xi32, #tpu.memory_space<vmem>>, vector<256x384xi32>
    tpu.vector_store %arg4[%swap3A, %swap3A_34], %or3A {strides = array<i32>} : memref<256x384xi32, #tpu.memory_space<vmem>>, vector<256x384xi32>,
    return
  }
  func.func @transform_0(%arg0: i32) -> (i32, i32) {
    %c0_i32 = arith.constant 0 : i32
    %c0_i32_0 = arith.constant 0 : i32
    return %arg0, %c0_i32 : i32, i32
  }
  func.func @transform_1(%arg0: i32) -> (i32, i32, i32) {
    %c0_i32 = arith.constant 0 : i32
    %c0_i32_0 = arith.constant 0 : i32
    %c0_i32_1 = arith.constant 0 : i32
    return %arg0, %c0_i32, %c0_i32_0 : i32, i32, i32
  }
  func.func @transform_2(%arg0: i32) -> (i32, i32, i32) {
    %c0_i32 = arith.constant 0 : i32
    %c0_i32_0 = arith.constant 0 : i32
    %c0_i32_1 = arith.constant 0 : i32
    return %arg0, %c0_i32, %c0_i32_0 : i32, i32, i32
  }
  func.func @transform_3(%arg0: i32) -> (i32, i32) {
    %c0_i32 = arith.constant 0 : i32
    %c0_i32_0 = arith.constant 0 : i32
    return %arg0, %c0_i32 : i32, i32
  }
}

module attributes {stable_mosaic.version = 14 : i64} {
  func.func @_router_body(%arg0: i32, %arg1: memref<512x768xf32, #tpu.memory_space<vmem>>, %arg2: memref<768x64xf32, #tpu.memory_space<vmem>>, %arg3: memref<512x1xi32, #tpu.memory_space<vmem>>, %arg4: memref<512x1xi32, #tpu.memory_space<vmem>>, %arg5: memref<512x1xi32, #tpu.memory_space<vmem>>, %arg6: memref<512x1xi32, #tpu.memory_space<vmem>>, %arg7: memref<512x2xf32, #tpu.memory_space<vmem>>, %arg8: memref<512x384xi32, #tpu.memory_space<vmem>>, %arg9: memref<1x64xf32, #tpu.memory_space<vmem>>) attributes {dimension_semantics = [#tpu.dimension_semantics<arbitrary>], iteration_bounds = array<i64: 8>, scalar_prefetch = 0 : i64, scratch_operands = 1 : i64, tpu.core_type = #tpu.core_type<tc>, window_params = [{transform_indices = @transform_0, window_bounds = array<i64: 512, 768>}, {pipeline_mode = #tpu.pipeline_mode<synchronous>, transform_indices = @transform_1, window_bounds = array<i64: 768, 64>}, {transform_indices = @transform_2, window_bounds = array<i64: 512, 1>}, {transform_indices = @transform_3, window_bounds = array<i64: 512, 1>}, {transform_indices = @transform_4, window_bounds = array<i64: 512, 1>}, {transform_indices = @transform_5, window_bounds = array<i64: 512, 1>}, {transform_indices = @transform_6, window_bounds = array<i64: 512, 2>}, {transform_indices = @transform_7, window_bounds = array<i64: 512, 384>}]} {
    %eq3A = arith.constant 0 : i32
    %eq3A_0 = arith.cmpi eq, %arg0, %eq3A : i32
    %convert_element_type3A = arith.extui %eq3A_0 : i1 to i32
    %cond3A = arith.constant 0 : i32
    %cond3A_1 = arith.cmpi ne, %convert_element_type3A, %cond3A : i32
    scf.if %cond3A_1 {
      %broadcast_in_dim3A_138 = arith.constant 0.000000e+00 : f32
      %broadcast_in_dim3A_139 = vector.broadcast %broadcast_in_dim3A_138 : f32 to vector<1x64xf32>
      %swap3A_140 = arith.constant 0 : index
      %swap3A_141 = arith.constant 0 : index
      %swap3A_142 = vector.load %arg9[%swap3A_140, %swap3A_141] : memref<1x64xf32, #tpu.memory_space<vmem>>, vector<1x64xf32>
      tpu.vector_store %arg9[%swap3A_140, %swap3A_141], %broadcast_in_dim3A_139 {strides = array<i32>} : memref<1x64xf32, #tpu.memory_space<vmem>>, vector<1x64xf32>,
    } else {
    }
    %get3A = arith.constant 0 : index
    %get3A_2 = arith.constant 0 : index
    %get3A_3 = vector.load %arg1[%get3A, %get3A_2] : memref<512x768xf32, #tpu.memory_space<vmem>>, vector<512x768xf32>
    %bitcast_convert_type3A = tpu.bitcast %get3A_3 : vector<512x768xf32> -> vector<512x768xi32>
    %add3A = arith.constant 32768 : i32
    %add3A_4 = vector.broadcast %add3A : i32 to vector<512x768xi32>
    %add3A_5 = arith.addi %bitcast_convert_type3A, %add3A_4 : vector<512x768xi32>
    %shift_right_logical3A = arith.constant 16 : i32
    %shift_right_logical3A_6 = vector.broadcast %shift_right_logical3A : i32 to vector<512x768xi32>
    %shift_right_logical3A_7 = arith.shrui %add3A_5, %shift_right_logical3A_6 : vector<512x768xi32>
    %slice3A = vector.extract_strided_slice %shift_right_logical3A_7 {offsets = [0, 0], sizes = [512, 384], strides = [1, 1]} : vector<512x768xi32> to vector<512x384xi32>
    %and3A = arith.constant 65535 : i32
    %and3A_8 = vector.broadcast %and3A : i32 to vector<512x384xi32>
    %and3A_9 = arith.andi %slice3A, %and3A_8 : vector<512x384xi32>
    %slice3A_10 = vector.extract_strided_slice %shift_right_logical3A_7 {offsets = [0, 384], sizes = [512, 384], strides = [1, 1]} : vector<512x768xi32> to vector<512x384xi32>
    %shift_left3A = arith.constant 16 : i32
    %shift_left3A_11 = vector.broadcast %shift_left3A : i32 to vector<512x384xi32>
    %shift_left3A_12 = arith.shli %slice3A_10, %shift_left3A_11 : vector<512x384xi32>
    %or3A = arith.ori %and3A_9, %shift_left3A_12 : vector<512x384xi32>
    %swap3A = arith.constant 0 : index
    %swap3A_13 = arith.constant 0 : index
    %swap3A_14 = vector.load %arg8[%swap3A, %swap3A_13] : memref<512x384xi32, #tpu.memory_space<vmem>>, vector<512x384xi32>
    tpu.vector_store %arg8[%swap3A, %swap3A_13], %or3A {strides = array<i32>} : memref<512x384xi32, #tpu.memory_space<vmem>>, vector<512x384xi32>,
    %get3A_15 = arith.constant 0 : index
    %get3A_16 = arith.constant 0 : index
    %get3A_17 = vector.load %arg2[%get3A_15, %get3A_16] : memref<768x64xf32, #tpu.memory_space<vmem>>, vector<768x64xf32>
    %dot_general3A = arith.constant dense<0.000000e+00> : vector<512x64xf32>
    %dot_general3A_18 = tpu.matmul %get3A_3, %get3A_17, %dot_general3A {dimension_numbers = #tpu.dot_dimension_numbers<[1], [0], [0], [1], [0, 0, 1, 1], [], []>, transpose_lhs_hint = false} : vector<512x768xf32>, vector<768x64xf32>, vector<512x64xf32> -> vector<512x64xf32>
    %iota3A = tpu.iota {dimensions = array<i32: 1>} : vector<512x64xi32>
    %reduce_max3A = arith.constant dense<0xFF800000> : vector<512xf32>
    %reduce_max3A_19 = vector.multi_reduction <maximumf>, %dot_general3A_18, %reduce_max3A [1] : vector<512x64xf32> to vector<512xf32>
    %broadcast_in_dim3A = vector.shape_cast %reduce_max3A_19 : vector<512xf32> to vector<512x1xf32>
    %eq3A_20 = vector.broadcast %broadcast_in_dim3A : vector<512x1xf32> to vector<512x64xf32>
    %eq3A_21 = arith.cmpf oeq, %dot_general3A_18, %eq3A_20 : vector<512x64xf32>
    %jit3A = arith.constant 64 : i32
    %broadcast_in_dim3A_22 = vector.broadcast %jit3A : i32 to vector<512x64xi32>
    %select_n3A = arith.select %eq3A_21, %iota3A, %broadcast_in_dim3A_22 : vector<512x64xi1>, vector<512x64xi32>
    %reduce_min3A = arith.constant dense<2147483647> : vector<512xi32>
    %reduce_min3A_23 = vector.multi_reduction <minsi>, %select_n3A, %reduce_min3A [1] : vector<512x64xi32> to vector<512xi32>
    %broadcast_in_dim3A_24 = vector.shape_cast %reduce_min3A_23 : vector<512xi32> to vector<512x1xi32>
    %eq3A_25 = vector.broadcast %broadcast_in_dim3A_24 : vector<512x1xi32> to vector<512x64xi32>
    %eq3A_26 = arith.cmpi eq, %iota3A, %eq3A_25 : vector<512x64xi32>
    %jit3A_27 = arith.constant 0xFF800000 : f32
    %broadcast_in_dim3A_28 = vector.broadcast %jit3A_27 : f32 to vector<512x64xf32>
    %select_n3A_29 = arith.select %eq3A_26, %broadcast_in_dim3A_28, %dot_general3A_18 : vector<512x64xi1>, vector<512x64xf32>
    %reduce_max3A_30 = arith.constant dense<0xFF800000> : vector<512xf32>
    %reduce_max3A_31 = vector.multi_reduction <maximumf>, %select_n3A_29, %reduce_max3A_30 [1] : vector<512x64xf32> to vector<512xf32>
    %broadcast_in_dim3A_32 = vector.shape_cast %reduce_max3A_31 : vector<512xf32> to vector<512x1xf32>
    %eq3A_33 = vector.broadcast %broadcast_in_dim3A_32 : vector<512x1xf32> to vector<512x64xf32>
    %eq3A_34 = arith.cmpf oeq, %select_n3A_29, %eq3A_33 : vector<512x64xf32>
    %jit3A_35 = arith.constant 64 : i32
    %broadcast_in_dim3A_36 = vector.broadcast %jit3A_35 : i32 to vector<512x64xi32>
    %select_n3A_37 = arith.select %eq3A_34, %iota3A, %broadcast_in_dim3A_36 : vector<512x64xi1>, vector<512x64xi32>
    %reduce_min3A_38 = arith.constant dense<2147483647> : vector<512xi32>
    %reduce_min3A_39 = vector.multi_reduction <minsi>, %select_n3A_37, %reduce_min3A_38 [1] : vector<512x64xi32> to vector<512xi32>
    %broadcast_in_dim3A_40 = vector.shape_cast %reduce_min3A_39 : vector<512xi32> to vector<512x1xi32>
    %eq3A_41 = vector.broadcast %broadcast_in_dim3A_24 : vector<512x1xi32> to vector<512x64xi32>
    %eq3A_42 = arith.cmpi eq, %iota3A, %eq3A_41 : vector<512x64xi32>
    %convert_element_type3A_43 = arith.extui %eq3A_42 : vector<512x64xi1> to vector<512x64xi32>
    %convert_element_type3A_44 = arith.sitofp %convert_element_type3A_43 : vector<512x64xi32> to vector<512x64xf32>
    %eq3A_45 = vector.broadcast %broadcast_in_dim3A_40 : vector<512x1xi32> to vector<512x64xi32>
    %eq3A_46 = arith.cmpi eq, %iota3A, %eq3A_45 : vector<512x64xi32>
    %convert_element_type3A_47 = arith.extui %eq3A_46 : vector<512x64xi1> to vector<512x64xi32>
    %convert_element_type3A_48 = arith.sitofp %convert_element_type3A_47 : vector<512x64xi32> to vector<512x64xf32>
    %add3A_49 = arith.addf %convert_element_type3A_44, %convert_element_type3A_48 : vector<512x64xf32>
    %iota3A_50 = tpu.iota {dimensions = array<i32: 0>} : vector<256x256xi32>
    %iota3A_51 = tpu.iota {dimensions = array<i32: 1>} : vector<256x256xi32>
    %gt3A = arith.cmpi sgt, %iota3A_50, %iota3A_51 : vector<256x256xi32>
    %convert_element_type3A_52 = arith.extui %gt3A : vector<256x256xi1> to vector<256x256xi32>
    %convert_element_type3A_53 = arith.sitofp %convert_element_type3A_52 : vector<256x256xi32> to vector<256x256xf32>
    %get3A_54 = arith.constant 0 : index
    %get3A_55 = arith.constant 0 : index
    %get3A_56 = vector.load %arg9[%get3A_54, %get3A_55] : memref<1x64xf32, #tpu.memory_space<vmem>>, vector<1x64xf32>
    %slice3A_57 = vector.extract_strided_slice %add3A_49 {offsets = [0, 0], sizes = [256, 64], strides = [1, 1]} : vector<512x64xf32> to vector<256x64xf32>
    %dot_general3A_58 = arith.constant dense<0.000000e+00> : vector<256x64xf32>
    %dot_general3A_59 = tpu.matmul %convert_element_type3A_53, %slice3A_57, %dot_general3A_58 {dimension_numbers = #tpu.dot_dimension_numbers<[1], [0], [0], [1], [0, 0, 1, 1], [], []>, transpose_lhs_hint = false} : vector<256x256xf32>, vector<256x64xf32>, vector<256x64xf32> -> vector<256x64xf32>
    %add3A_60 = vector.broadcast %get3A_56 : vector<1x64xf32> to vector<256x64xf32>
    %add3A_61 = arith.addf %dot_general3A_59, %add3A_60 : vector<256x64xf32>
    %reduce_sum3A = arith.constant dense<0.000000e+00> : vector<64xf32>
    %reduce_sum3A_62 = vector.multi_reduction <add>, %slice3A_57, %reduce_sum3A [0] : vector<256x64xf32> to vector<64xf32>
    %broadcast_in_dim3A_63 = vector.shape_cast %reduce_sum3A_62 : vector<64xf32> to vector<1x64xf32>
    %add3A_64 = arith.addf %get3A_56, %broadcast_in_dim3A_63 : vector<1x64xf32>
    %slice3A_65 = vector.extract_strided_slice %add3A_49 {offsets = [256, 0], sizes = [256, 64], strides = [1, 1]} : vector<512x64xf32> to vector<256x64xf32>
    %dot_general3A_66 = arith.constant dense<0.000000e+00> : vector<256x64xf32>
    %dot_general3A_67 = tpu.matmul %convert_element_type3A_53, %slice3A_65, %dot_general3A_66 {dimension_numbers = #tpu.dot_dimension_numbers<[1], [0], [0], [1], [0, 0, 1, 1], [], []>, transpose_lhs_hint = false} : vector<256x256xf32>, vector<256x64xf32>, vector<256x64xf32> -> vector<256x64xf32>
    %add3A_68 = vector.broadcast %add3A_64 : vector<1x64xf32> to vector<256x64xf32>
    %add3A_69 = arith.addf %dot_general3A_67, %add3A_68 : vector<256x64xf32>
    %reduce_sum3A_70 = arith.constant dense<0.000000e+00> : vector<64xf32>
    %reduce_sum3A_71 = vector.multi_reduction <add>, %slice3A_65, %reduce_sum3A_70 [0] : vector<256x64xf32> to vector<64xf32>
    %broadcast_in_dim3A_72 = vector.shape_cast %reduce_sum3A_71 : vector<64xf32> to vector<1x64xf32>
    %add3A_73 = arith.addf %add3A_64, %broadcast_in_dim3A_72 : vector<1x64xf32>
    %swap3A_74 = arith.constant 0 : index
    %swap3A_75 = arith.constant 0 : index
    %swap3A_76 = vector.load %arg9[%swap3A_74, %swap3A_75] : memref<1x64xf32, #tpu.memory_space<vmem>>, vector<1x64xf32>
    tpu.vector_store %arg9[%swap3A_74, %swap3A_75], %add3A_73 {strides = array<i32>} : memref<1x64xf32, #tpu.memory_space<vmem>>, vector<1x64xf32>,
    %concatenate3A = tpu.concatenate %add3A_61, %add3A_69 in 0 : vector<256x64xf32>, vector<256x64xf32> -> vector<512x64xf32>
    %mul3A = arith.mulf %concatenate3A, %convert_element_type3A_44 : vector<512x64xf32>
    %reduce_sum3A_77 = arith.constant dense<0.000000e+00> : vector<512xf32>
    %reduce_sum3A_78 = vector.multi_reduction <add>, %mul3A, %reduce_sum3A_77 [1] : vector<512x64xf32> to vector<512xf32>
    %broadcast_in_dim3A_79 = vector.shape_cast %reduce_sum3A_78 : vector<512xf32> to vector<512x1xf32>
    %convert_element_type3A_80 = arith.fptosi %broadcast_in_dim3A_79 : vector<512x1xf32> to vector<512x1xi32>
    %mul3A_81 = arith.mulf %concatenate3A, %convert_element_type3A_48 : vector<512x64xf32>
    %reduce_sum3A_82 = arith.constant dense<0.000000e+00> : vector<512xf32>
    %reduce_sum3A_83 = vector.multi_reduction <add>, %mul3A_81, %reduce_sum3A_82 [1] : vector<512x64xf32> to vector<512xf32>
    %broadcast_in_dim3A_84 = vector.shape_cast %reduce_sum3A_83 : vector<512xf32> to vector<512x1xf32>
    %convert_element_type3A_85 = arith.fptosi %broadcast_in_dim3A_84 : vector<512x1xf32> to vector<512x1xi32>
    %sub3A = arith.subf %broadcast_in_dim3A_32, %broadcast_in_dim3A : vector<512x1xf32>
    %exp3A = math.exp %sub3A : vector<512x1xf32>
    %add3A_86 = arith.constant 1.000000e+00 : f32
    %add3A_87 = vector.broadcast %add3A_86 : f32 to vector<512x1xf32>
    %add3A_88 = arith.addf %add3A_87, %exp3A : vector<512x1xf32>
    %div3A = arith.divf %exp3A, %add3A_88 : vector<512x1xf32>
    %sub3A_89 = arith.constant 1.000000e+00 : f32
    %sub3A_90 = vector.broadcast %sub3A_89 : f32 to vector<512x1xf32>
    %sub3A_91 = arith.subf %sub3A_90, %div3A : vector<512x1xf32>
    %lt3A = arith.constant 256 : i32
    %lt3A_92 = vector.broadcast %lt3A : i32 to vector<512x1xi32>
    %lt3A_93 = arith.cmpi slt, %convert_element_type3A_80, %lt3A_92 : vector<512x1xi32>
    %lt3A_94 = arith.constant 256 : i32
    %lt3A_95 = vector.broadcast %lt3A_94 : i32 to vector<512x1xi32>
    %lt3A_96 = arith.cmpi slt, %convert_element_type3A_85, %lt3A_95 : vector<512x1xi32>
    %mul3A_97 = arith.constant 256 : i32
    %mul3A_98 = vector.broadcast %mul3A_97 : i32 to vector<512x1xi32>
    %mul3A_99 = arith.muli %broadcast_in_dim3A_24, %mul3A_98 : vector<512x1xi32>
    %min3A = arith.constant 255 : i32
    %min3A_100 = vector.broadcast %min3A : i32 to vector<512x1xi32>
    %min3A_101 = arith.minsi %convert_element_type3A_80, %min3A_100 : vector<512x1xi32>
    %add3A_102 = arith.addi %mul3A_99, %min3A_101 : vector<512x1xi32>
    %mul3A_103 = arith.constant 256 : i32
    %mul3A_104 = vector.broadcast %mul3A_103 : i32 to vector<512x1xi32>
    %mul3A_105 = arith.muli %broadcast_in_dim3A_40, %mul3A_104 : vector<512x1xi32>
    %min3A_106 = arith.constant 255 : i32
    %min3A_107 = vector.broadcast %min3A_106 : i32 to vector<512x1xi32>
    %min3A_108 = arith.minsi %convert_element_type3A_85, %min3A_107 : vector<512x1xi32>
    %add3A_109 = arith.addi %mul3A_105, %min3A_108 : vector<512x1xi32>
    %jit3A_110 = arith.constant 16384 : i32
    %broadcast_in_dim3A_111 = vector.broadcast %jit3A_110 : i32 to vector<512x1xi32>
    %select_n3A_112 = arith.select %lt3A_93, %add3A_102, %broadcast_in_dim3A_111 : vector<512x1xi1>, vector<512x1xi32>
    %swap3A_113 = arith.constant 0 : index
    %swap3A_114 = arith.constant 0 : index
    %swap3A_115 = vector.load %arg3[%swap3A_113, %swap3A_114] : memref<512x1xi32, #tpu.memory_space<vmem>>, vector<512x1xi32>
    tpu.vector_store %arg3[%swap3A_113, %swap3A_114], %select_n3A_112 {strides = array<i32>} : memref<512x1xi32, #tpu.memory_space<vmem>>, vector<512x1xi32>,
    %jit3A_116 = arith.constant 16384 : i32
    %broadcast_in_dim3A_117 = vector.broadcast %jit3A_116 : i32 to vector<512x1xi32>
    %select_n3A_118 = arith.select %lt3A_96, %add3A_109, %broadcast_in_dim3A_117 : vector<512x1xi1>, vector<512x1xi32>
    %swap3A_119 = arith.constant 0 : index
    %swap3A_120 = arith.constant 0 : index
    %swap3A_121 = vector.load %arg4[%swap3A_119, %swap3A_120] : memref<512x1xi32, #tpu.memory_space<vmem>>, vector<512x1xi32>
    tpu.vector_store %arg4[%swap3A_119, %swap3A_120], %select_n3A_118 {strides = array<i32>} : memref<512x1xi32, #tpu.memory_space<vmem>>, vector<512x1xi32>,
    %swap3A_122 = arith.constant 0 : index
    %swap3A_123 = arith.constant 0 : index
    %swap3A_124 = vector.load %arg5[%swap3A_122, %swap3A_123] : memref<512x1xi32, #tpu.memory_space<vmem>>, vector<512x1xi32>
    tpu.vector_store %arg5[%swap3A_122, %swap3A_123], %add3A_102 {strides = array<i32>} : memref<512x1xi32, #tpu.memory_space<vmem>>, vector<512x1xi32>,
    %swap3A_125 = arith.constant 0 : index
    %swap3A_126 = arith.constant 0 : index
    %swap3A_127 = vector.load %arg6[%swap3A_125, %swap3A_126] : memref<512x1xi32, #tpu.memory_space<vmem>>, vector<512x1xi32>
    tpu.vector_store %arg6[%swap3A_125, %swap3A_126], %add3A_109 {strides = array<i32>} : memref<512x1xi32, #tpu.memory_space<vmem>>, vector<512x1xi32>,
    %jit3A_128 = arith.constant 0.000000e+00 : f32
    %broadcast_in_dim3A_129 = vector.broadcast %jit3A_128 : f32 to vector<512x1xf32>
    %select_n3A_130 = arith.select %lt3A_93, %sub3A_91, %broadcast_in_dim3A_129 : vector<512x1xi1>, vector<512x1xf32>
    %jit3A_131 = arith.constant 0.000000e+00 : f32
    %broadcast_in_dim3A_132 = vector.broadcast %jit3A_131 : f32 to vector<512x1xf32>
    %select_n3A_133 = arith.select %lt3A_96, %div3A, %broadcast_in_dim3A_132 : vector<512x1xi1>, vector<512x1xf32>
    %concatenate3A_134 = tpu.concatenate %select_n3A_130, %select_n3A_133 in 1 : vector<512x1xf32>, vector<512x1xf32> -> vector<512x2xf32>
    %swap3A_135 = arith.constant 0 : index
    %swap3A_136 = arith.constant 0 : index
    %swap3A_137 = vector.load %arg7[%swap3A_135, %swap3A_136] : memref<512x2xf32, #tpu.memory_space<vmem>>, vector<512x2xf32>
    tpu.vector_store %arg7[%swap3A_135, %swap3A_136], %concatenate3A_134 {strides = array<i32>} : memref<512x2xf32, #tpu.memory_space<vmem>>, vector<512x2xf32>,
    return
  }
  func.func @transform_0(%arg0: i32) -> (i32, i32) {
    %c0_i32 = arith.constant 0 : i32
    %c0_i32_0 = arith.constant 0 : i32
    return %arg0, %c0_i32 : i32, i32
  }
  func.func @transform_1(%arg0: i32) -> (i32, i32) {
    %c0_i32 = arith.constant 0 : i32
    %c0_i32_0 = arith.constant 0 : i32
    %c0_i32_1 = arith.constant 0 : i32
    return %c0_i32, %c0_i32_0 : i32, i32
  }
  func.func @transform_2(%arg0: i32) -> (i32, i32) {
    %c0_i32 = arith.constant 0 : i32
    %c0_i32_0 = arith.constant 0 : i32
    return %arg0, %c0_i32 : i32, i32
  }
  func.func @transform_3(%arg0: i32) -> (i32, i32) {
    %c0_i32 = arith.constant 0 : i32
    %c0_i32_0 = arith.constant 0 : i32
    return %arg0, %c0_i32 : i32, i32
  }
  func.func @transform_4(%arg0: i32) -> (i32, i32) {
    %c0_i32 = arith.constant 0 : i32
    %c0_i32_0 = arith.constant 0 : i32
    return %arg0, %c0_i32 : i32, i32
  }
  func.func @transform_5(%arg0: i32) -> (i32, i32) {
    %c0_i32 = arith.constant 0 : i32
    %c0_i32_0 = arith.constant 0 : i32
    return %arg0, %c0_i32 : i32, i32
  }
  func.func @transform_6(%arg0: i32) -> (i32, i32) {
    %c0_i32 = arith.constant 0 : i32
    %c0_i32_0 = arith.constant 0 : i32
    return %arg0, %c0_i32 : i32, i32
  }
  func.func @transform_7(%arg0: i32) -> (i32, i32) {
    %c0_i32 = arith.constant 0 : i32
    %c0_i32_0 = arith.constant 0 : i32
    return %arg0, %c0_i32 : i32, i32
  }
}

module attributes {stable_mosaic.version = 14 : i64} {
  func.func @_combine_body(%arg0: i32, %arg1: memref<512x384xi32, #tpu.memory_space<vmem>>, %arg2: memref<512x384xi32, #tpu.memory_space<vmem>>, %arg3: memref<512x2xf32, #tpu.memory_space<vmem>>, %arg4: memref<512x768xf32, #tpu.memory_space<vmem>>) attributes {dimension_semantics = [#tpu.dimension_semantics<arbitrary>], iteration_bounds = array<i64: 8>, scalar_prefetch = 0 : i64, scratch_operands = 0 : i64, tpu.core_type = #tpu.core_type<tc>, window_params = [{transform_indices = @transform_0, window_bounds = array<i64: 512, 384>}, {transform_indices = @transform_1, window_bounds = array<i64: 512, 384>}, {transform_indices = @transform_2, window_bounds = array<i64: 512, 2>}, {transform_indices = @transform_3, window_bounds = array<i64: 512, 768>}]} {
    %get3A = arith.constant 0 : index
    %get3A_0 = arith.constant 0 : index
    %get3A_1 = vector.load %arg3[%get3A, %get3A_0] : memref<512x2xf32, #tpu.memory_space<vmem>>, vector<512x1xf32>
    %get3A_2 = arith.constant 0 : index
    %get3A_3 = arith.constant 1 : index
    %get3A_4 = vector.load %arg3[%get3A_2, %get3A_3] : memref<512x2xf32, #tpu.memory_space<vmem>>, vector<512x1xf32>
    %get3A_5 = arith.constant 0 : index
    %get3A_6 = arith.constant 0 : index
    %get3A_7 = vector.load %arg1[%get3A_5, %get3A_6] : memref<512x384xi32, #tpu.memory_space<vmem>>, vector<512x384xi32>
    %shift_left3A = arith.constant 16 : i32
    %shift_left3A_8 = vector.broadcast %shift_left3A : i32 to vector<512x384xi32>
    %shift_left3A_9 = arith.shli %get3A_7, %shift_left3A_8 : vector<512x384xi32>
    %bitcast_convert_type3A = tpu.bitcast %shift_left3A_9 : vector<512x384xi32> -> vector<512x384xf32>
    %and3A = arith.constant -65536 : i32
    %and3A_10 = vector.broadcast %and3A : i32 to vector<512x384xi32>
    %and3A_11 = arith.andi %get3A_7, %and3A_10 : vector<512x384xi32>
    %bitcast_convert_type3A_12 = tpu.bitcast %and3A_11 : vector<512x384xi32> -> vector<512x384xf32>
    %concatenate3A = tpu.concatenate %bitcast_convert_type3A, %bitcast_convert_type3A_12 in 1 : vector<512x384xf32>, vector<512x384xf32> -> vector<512x768xf32>
    %get3A_13 = arith.constant 0 : index
    %get3A_14 = arith.constant 0 : index
    %get3A_15 = vector.load %arg2[%get3A_13, %get3A_14] : memref<512x384xi32, #tpu.memory_space<vmem>>, vector<512x384xi32>
    %shift_left3A_16 = arith.constant 16 : i32
    %shift_left3A_17 = vector.broadcast %shift_left3A_16 : i32 to vector<512x384xi32>
    %shift_left3A_18 = arith.shli %get3A_15, %shift_left3A_17 : vector<512x384xi32>
    %bitcast_convert_type3A_19 = tpu.bitcast %shift_left3A_18 : vector<512x384xi32> -> vector<512x384xf32>
    %and3A_20 = arith.constant -65536 : i32
    %and3A_21 = vector.broadcast %and3A_20 : i32 to vector<512x384xi32>
    %and3A_22 = arith.andi %get3A_15, %and3A_21 : vector<512x384xi32>
    %bitcast_convert_type3A_23 = tpu.bitcast %and3A_22 : vector<512x384xi32> -> vector<512x384xf32>
    %concatenate3A_24 = tpu.concatenate %bitcast_convert_type3A_19, %bitcast_convert_type3A_23 in 1 : vector<512x384xf32>, vector<512x384xf32> -> vector<512x768xf32>
    %eq3A = arith.constant 0.000000e+00 : f32
    %eq3A_25 = vector.broadcast %eq3A : f32 to vector<512x1xf32>
    %eq3A_26 = arith.cmpf oeq, %get3A_1, %eq3A_25 : vector<512x1xf32>
    %mul3A = vector.broadcast %get3A_1 : vector<512x1xf32> to vector<512x768xf32>
    %mul3A_27 = arith.mulf %mul3A, %concatenate3A : vector<512x768xf32>
    %jit3A = arith.constant 0.000000e+00 : f32
    %broadcast_in_dim3A = vector.shape_cast %eq3A_26 : vector<512x1xi1> to vector<512x1xi1>
    %broadcast_in_dim3A_28 = vector.broadcast %broadcast_in_dim3A : vector<512x1xi1> to vector<512x768xi1>
    %broadcast_in_dim3A_29 = vector.broadcast %jit3A : f32 to vector<512x768xf32>
    %select_n3A = arith.select %broadcast_in_dim3A_28, %broadcast_in_dim3A_29, %mul3A_27 : vector<512x768xi1>, vector<512x768xf32>
    %eq3A_30 = arith.constant 0.000000e+00 : f32
    %eq3A_31 = vector.broadcast %eq3A_30 : f32 to vector<512x1xf32>
    %eq3A_32 = arith.cmpf oeq, %get3A_4, %eq3A_31 : vector<512x1xf32>
    %mul3A_33 = vector.broadcast %get3A_4 : vector<512x1xf32> to vector<512x768xf32>
    %mul3A_34 = arith.mulf %mul3A_33, %concatenate3A_24 : vector<512x768xf32>
    %jit3A_35 = arith.constant 0.000000e+00 : f32
    %broadcast_in_dim3A_36 = vector.shape_cast %eq3A_32 : vector<512x1xi1> to vector<512x1xi1>
    %broadcast_in_dim3A_37 = vector.broadcast %broadcast_in_dim3A_36 : vector<512x1xi1> to vector<512x768xi1>
    %broadcast_in_dim3A_38 = vector.broadcast %jit3A_35 : f32 to vector<512x768xf32>
    %select_n3A_39 = arith.select %broadcast_in_dim3A_37, %broadcast_in_dim3A_38, %mul3A_34 : vector<512x768xi1>, vector<512x768xf32>
    %add3A = arith.addf %select_n3A, %select_n3A_39 : vector<512x768xf32>
    %swap3A = arith.constant 0 : index
    %swap3A_40 = arith.constant 0 : index
    %swap3A_41 = vector.load %arg4[%swap3A, %swap3A_40] : memref<512x768xf32, #tpu.memory_space<vmem>>, vector<512x768xf32>
    tpu.vector_store %arg4[%swap3A, %swap3A_40], %add3A {strides = array<i32>} : memref<512x768xf32, #tpu.memory_space<vmem>>, vector<512x768xf32>,
    return
  }
  func.func @transform_0(%arg0: i32) -> (i32, i32) {
    %c0_i32 = arith.constant 0 : i32
    %c0_i32_0 = arith.constant 0 : i32
    return %arg0, %c0_i32 : i32, i32
  }
  func.func @transform_1(%arg0: i32) -> (i32, i32) {
    %c0_i32 = arith.constant 0 : i32
    %c0_i32_0 = arith.constant 0 : i32
    return %arg0, %c0_i32 : i32, i32
  }
  func.func @transform_2(%arg0: i32) -> (i32, i32) {
    %c0_i32 = arith.constant 0 : i32
    %c0_i32_0 = arith.constant 0 : i32
    return %arg0, %c0_i32 : i32, i32
  }
  func.func @transform_3(%arg0: i32) -> (i32, i32) {
    %c0_i32 = arith.constant 0 : i32
    %c0_i32_0 = arith.constant 0 : i32
    return %arg0, %c0_i32 : i32, i32
  }
}

</mosaic_0001>

<sc_bundles>
// kernel: kernel.10.cloned.1.call-start
scs
__scs_entry_jumppad:
0x0: {  	(pc) =	sbr.rel $0x88, $3  }
0x1: {  	(tag) =	ssettag $0x0;
	lr =	simm.s32 $0x1  }
0x2: {  	[smem:$0x3F9D] =	sst lr;
	_ =	strace $0xD0000000  }
0x3: {  	_ = 	snop  }
0x4: {  	_ = 	snop  }
0x5: {  	_ = 	snop  }
0x6: {  	_ = 	snop  }
0x7: {  	_ = 	snop  }
__scs_overlays_trampoline_lowered:
0x8: {  	[smem:$0x3FAC] =	sst s0  }
0x9: {  	[smem:$0x3FAD] =	sst s1  }
0xa: {  	[smem:$0x3FAE] =	sst s2  }
0xb: {  	[smem:$0x3FAF] =	sst s3  }
0xc: {  	[smem:$0x3FB0] =	sst s4  }
0xd: {  	[smem:$0x3FB1] =	sst s5  }
0xe: {  	[smem:$0x3FB2] =	sst s6  }
0xf: {  	[smem:$0x3FB3] =	sst s7  }
0x10: {  	[smem:$0x3FB4] =	sst s8  }
0x11: {  	[smem:$0x3FB5] =	sst s9;
	s0 =	simm.s32 @!p0 $0x0  }
0x12: {  	s1 =	sld [smem:$0x3F9B];
	s0 =	simm.s32 @p0 $0x1  }
0x13: {  	[smem:$0x3FB6] =	sst s0;
	s0 =	simm.s32 @!p1 $0x0  }
0x14: {  	s2 =	sld [smem:$0x3F9A];
	s0 =	simm.s32 @p1 $0x1  }
0x15: {  	[smem:$0x3FB7] =	sst s0;
	s0 =	simm.s32 @!p2 $0x0  }
0x16: {  	s3 =	sld [smem:$0x3FDB];
	s0 =	simm.s32 @p2 $0x1  }
0x17: {  	s4 =	simm.s32 $0x1BF5;
	[smem:$0x3FB9] =	sst s0  }
0x18: {  	s0 =	sld [smem:$0x3F9C];
	_ =	swait.ge [sflag:s4], $0x0  }
0x19: {  	s7 =	sld [smem:$0x3F9D]  }
0x1a: {  	s8 =	sadd.s32 $0xFFFFE003, lr  }
0x1b: {  	s9 =	sadd.s32 $0xFFFFFEF7, lr;
	s5 =	simm.s32 $0xFFFFFFFF;
	p2 =	slt.u32 s8, $0xFFFFF086  }
0x1c: {  	p1 =	slt.u32 s9, $0xF7A;
	s5 =	simm.s32 @!p2 $0x0  }
0x1d: {  	s5 =	simm.s32 @p1 $0x1;
	p0 =	seq.s32 s7, s2  }
0x1e: {  	s7 =	smul.u32 @!p0 $0xF7A, s2;
	p2 =	seq.s32 @!p0 s5, $0x0  }
0x1f: {  	s9 =	smul.u32 $0xF7A, s1;
	s8 =	simm.s32 @!p0 $0x1BF5;
	p2 =	por !p2, p0  }
0x20: {  	[sflag:s8] =	ssyncset.s32 @!p0 $0xFFFFF086;
	s6 =	sadd.s32 @!p0 s3, s7;
	s7 =	simm.s32 @!p0 $0x108  }
0x21: {  	s3 =	sadd.s32 s3, s9;
	s6 =	sadd.s32 @!p0 $0x88, s6;
	s7 =	simm.s32 @p2 $0x1082  }
0x22: {  	[simem:s7], [sflag:s8] =	dma.local @!p0 [hbm:s6], $0xF7A  }
0x23: {  	s9 =	sor.u32 $0xD0000000, s2;
	s6 =	simm.s32 $0x108;
	_ =	swait.ge @!p0 [sflag:s8], $0x0  }
0x24: {  	s3 =	sadd.s32 $0x88, s3;
	s6 =	simm.s32 @!p1 $0x1082;
	[sflag:s4] =	ssyncset.s32 $0xFFFFF086  }
0x25: {  	[simem:s6], [sflag:s4] =	dma.local [hbm:s3], $0xF7A  }
0x26: {  	[smem:$0x3F9D] =	sst s1;
	(tag) =	ssettag s2;
	_ =	strace s9  }
0x27: {  	s1 =	sld [smem:$0x3FAD]  }
0x28: {  	s2 =	sld [smem:$0x3FAE]  }
0x29: {  	s4 =	sld [smem:$0x3FB0]  }
0x2a: {  	p0 =	seq.s32 s5, $0x0;
	s5 =	sld [smem:$0x3FB1]  }
0x2b: {  	s6 =	sld [smem:$0x3FB2]  }
0x2c: {  	s7 =	sld [smem:$0x3FB3]  }
0x2d: {  	s3 =	simm.s32 $0x108;
	s8 =	sld [smem:$0x3FB4]  }
0x2e: {  	s3 =	simm.s32 @!p0 $0x1082;
	s9 =	sld [smem:$0x3FB5]  }
0x2f: {  	lr =	sadd.s32 s0, s3;
	s0 =	sld [smem:$0x3FAC]  }
0x30: {  	s3 =	sld [smem:$0x3FAF]  }
0x31: {  	[smem:$0x3FB8] =	sst s10  }
0x32: {  	s10 =	sld [smem:$0x3FB6];
	_ =	sdelay $0x3  }
0x33: {  	p0 =	seq.s32 s10, $0x1;
	s10 =	sld [smem:$0x3FB8];
	_ =	sdelay $0x3  }
0x34: {  	[smem:$0x3FB8] =	sst s10  }
0x35: {  	s10 =	sld [smem:$0x3FB7];
	_ =	sdelay $0x3  }
0x36: {  	p1 =	seq.s32 s10, $0x1;
	s10 =	sld [smem:$0x3FB8];
	_ =	sdelay $0x3  }
0x37: {  	[smem:$0x3FB8] =	sst s10  }
0x38: {  	s10 =	sld [smem:$0x3FB9]  }
0x39: {  	_ = 	snop;
	(pc) =	sbr.ind lr, $3  }
0x3a: {  	_ = 	snop  }
0x3b: {  	_ = 	snop  }
0x3c: {  	p2 =	seq.s32 s10, $0x1;
	s10 =	sld [smem:$0x3FB8]  }
0x3d: {  	_ =	shalt  }
0x3e: {  	_ =	shalt  }
0x3f: {  	_ =	shalt  }
0x40: {  	_ =	shalt  }
0x41: {  	_ =	shalt  }
0x42: {  	_ =	shalt  }
0x43: {  	_ =	shalt  }
0x44: {  	_ =	shalt  }
0x45: {  	_ =	shalt  }
0x46: {  	_ =	shalt  }
0x47: {  	_ =	shalt  }
0x48: {  	_ =	shalt  }
0x49: {  	_ =	shalt  }
0x4a: {  	_ =	shalt  }
0x4b: {  	_ =	shalt  }
0x4c: {  	_ =	shalt  }
0x4d: {  	_ =	shalt  }
0x4e: {  	_ =	shalt  }
0x4f: {  	_ =	shalt  }
0x50: {  	_ =	shalt  }
0x51: {  	_ =	shalt  }
0x52: {  	_ =	shalt  }
0x53: {  	_ =	shalt  }
0x54: {  	_ =	shalt  }
0x55: {  	_ =	shalt  }
0x56: {  	_ =	shalt  }
0x57: {  	_ =	shalt  }
0x58: {  	_ =	shalt  }
0x59: {  	_ =	shalt  }
0x5a: {  	_ =	shalt  }
0x5b: {  	_ =	shalt  }
0x5c: {  	_ =	shalt  }
0x5d: {  	_ =	shalt  }
0x5e: {  	_ =	shalt  }
0x5f: {  	_ =	shalt  }
0x60: {  	_ =	shalt  }
0x61: {  	_ =	shalt  }
0x62: {  	_ =	shalt  }
0x63: {  	_ =	shalt  }
0x64: {  	_ =	shalt  }
0x65: {  	_ =	shalt  }
0x66: {  	_ =	shalt  }
0x67: {  	_ =	shalt  }
0x68: {  	_ =	shalt  }
0x69: {  	_ =	shalt  }
0x6a: {  	_ =	shalt  }
0x6b: {  	_ =	shalt  }
0x6c: {  	_ =	shalt  }
0x6d: {  	_ =	shalt  }
0x6e: {  	_ =	shalt  }
0x6f: {  	_ =	shalt  }
0x70: {  	_ =	shalt  }
0x71: {  	_ =	shalt  }
0x72: {  	_ =	shalt  }
0x73: {  	_ =	shalt  }
0x74: {  	_ =	shalt  }
0x75: {  	_ =	shalt  }
0x76: {  	_ =	shalt  }
0x77: {  	_ =	shalt  }
0x78: {  	_ =	shalt  }
0x79: {  	_ =	shalt  }
0x7a: {  	_ =	shalt  }
0x7b: {  	_ =	shalt  }
0x7c: {  	_ =	shalt  }
0x7d: {  	_ =	shalt  }
0x7e: {  	_ =	shalt  }
0x7f: {  	_ =	shalt  }
0x80: {  	_ =	shalt  }
0x81: {  	_ =	shalt  }
0x82: {  	_ =	shalt  }
0x83: {  	_ =	shalt  }
0x84: {  	_ =	shalt  }
0x85: {  	_ =	shalt  }
0x86: {  	_ =	shalt  }
0x87: {  	_ =	shalt  }
.Lfunc_end0:
.L_simem_size_0:
called_computation.1_lowered:
.L_overlay_start_0:
0x88: {  	s2 =	sld [smem:$0x3FD9]  }
0x89: {  	s3 =	sld [smem:$0x3FFE];
	_ =	sdelay $0x1  }
0x8a: {  	s1 =	srdreg.scid  }
0x8b: {  	s0 =	sand.u32 $0x1, s1  }
0x8c: {  	s17 =	sshll.u32 s0, $0xA;
	s2 =	sadd.s32 s3, s2  }
0x8d: {  	s2 =	sadd.s32 s2, s17  }
0x8e: {  	[smem:$0x3FC4] =	sst s2  }
0x8f: {  	_ = 	snop  }
0x90: {  	s2 =	sld [smem:$0x3FD0];
	(tm) =	ssettm $0x1  }
0x91: {  	s18 =	sld [smem:$0x3FFB];
	_ =	sdelay $0x3  }
0x92: {  	_ =	strace s18  }
0x93: {  	s3 =	sld [smem:$0x3FFC];
	_ =	sdelay $0x3  }
0x94: {  	_ =	strace s3  }
0x95: {  	s3 =	sld [smem:$0x3FFD];
	_ =	sdelay $0x3  }
0x96: {  	_ =	strace s3  }
0x97: {  	_ =	strace $0x8FFFFFFF  }
0x98: {  	s19 =	sld [smem:$0x3FDB];
	_ =	sdelay $0x1  }
0x99: {  	s4 =	simm.s32 $_scs_section_size  }
0x9a: {  	s5 =	simm.s32 $_size__tile_overlayer_lowered;
	s6 =	simm.s32 $_tile_overlayer_lowered  }
0x9b: {  	s22 =	simm.s32 $0x1BFF;
	s21 =	sshll.u32 s6, $0x1;
	s3 =	sadd.s32 s4, s19  }
0x9c: {  	s7 =	simm.s32 $0x0;
	s20 =	sshll.u32 s5, $0x1;
	s5 =	sadd.s32 s21, s3  }
0x9d: {  	[timem:s7], [sflag:s22] =	dma.local [hbm:s5], s20  }
0x9e: {  	_ =	swait.ge [sflag:s22], s20  }
0x9f: {  	s4 =	ssub.s32 $0x0, s20;
	[sflag:s22] =	ssyncset.done $0x0  }
0xa0: {  	[sflag:s22] =	ssyncadd.s32 s4;
	_ =	sdelay $0x1  }
0xa1: {  	s23 =	simm.s32 $0x1B8B  }
0xa2: {  	_ =	swait.ge [sflag:s23], $0x1  }
0xa3: {  	[sflag:s23] =	ssyncset.done $0x0  }
0xa4: {  	s25 =	simm.s32 $0x1B8E;
	s24 =	sld [smem:$0x3FFE];
	[sflag:s23] =	ssyncadd.s32 $0xFFFFFFFF  }
0xa5: {  	s26 =	simm.s32 $execute0_lowered;
	[smem:$0x3FD2] =	sst s25  }
0xa6: {  	s5 =	sshll.u32 s26, $0x1;
	_ =	strace $0x80000049;
	[dreg:$0x1] =	wrdreg $0xFFFFFFFF  }
0xa7: {  	s28 =	simm.s32 $_size_execute0_lowered;
	s3 =	sadd.s32 s3, s5;
	[dreg:$0x0] =	wrdreg $0x0  }
0xa8: {  	s5 =	sshll.u32 s28, $0x1;
	[dreg:$0x2] =	wrdreg s3  }
0xa9: {  	[dreg:$0x3] =	wrdreg s5  }
0xaa: {  	[dreg:$0x4] =	wrdreg $0xC0  }
0xab: {  	_ =	task [dreg:s7], $0x5FFFF  }
0xac: {  	[dreg:$0x1] =	wrdreg $0xFFFFFFFF  }
0xad: {  	[dreg:$0x0] =	wrdreg $0x60  }
0xae: {  	[dreg:$0x2] =	wrdreg s24  }
0xaf: {  	[dreg:$0x3] =	wrdreg s2  }
0xb0: {  	[dreg:$0x4] =	wrdreg $0x9  }
0xb1: {  	_ =	task.clear_ibuf [dreg:s7], $0x5FFFF;
	_ =	strace $0x90000049  }
0xb2: {  	s29 =	simm.s32 $0x9;
	_ =	strace $0x8000004B  }
0xb3: {  	_ =	swait.ge [sflag:s29], $0x1  }
0xb4: {  	[sflag:s29] =	ssyncadd.s32 $0xFFFFFFFF  }
0xb5: {  	_ =	strace $0x9000004B  }
0xb6: {  	_ =	sfence  }
0xb7: {  	s30 =	sld [smem:$0x0];
	_ =	sdelay $0x2  }
0xb8: {  	s31 =	sshll.u32 s1, $0xD;
	s1 =	sshrl.u32 s1, $0x2  }
0xb9: {  	s3 =	sand.u32 $0x4000, s31;
	s1 =	sadd.s32 s1, s30  }
0xba: {  	s0 =	sor.u32 s3, s0;
	s1 =	sshll.u32 s1, $0x11  }
0xbb: {  	s0 =	sor.u32 s1, s0  }
0xbc: {  	s0 =	sadd.s32 $0x8F2B, s0  }
0xbd: {  	[sflag:s0] =	ssyncadd.remote.s32 $0x1  }
0xbe: {  	_ =	sfence.sel $0xFFFF  }
0xbf: {  	[dreg:$0x0] =	wrdreg $0xFFFFFFFF;
	(pc) =	sbr.abs _section_cstart, $3  }
0xc0: {  	[dreg:$0x1] =	wrdreg $0xFFFFFFFF  }
0xc1: {  	_ =	task.clear_ibuf [dreg:s7], $0x2FFFF;
	_ =	strace $0x9FFFFFFF  }
0xc2: {  	(tm) =	ssettm $0x7FFFFFFF  }
0xc3: {  	_ =	shalt  }
tec
execute0_lowered:
.L_overlay_start_1:
0x0: {  	(tag) =	ssettag $0x1  }
0x1: {  	s2 =	srdreg.scid;
	s1 =	rddreg [dreg:$0x0]  }
0x2: {  	s3 =	rddreg [dreg:$0x1];
	s4 =	sand.u32 $0x1, s2;
	s2 =	simm.s32 $0x0  }
0x3: {  	s8 =	simm.s32 $0x18080;
	[smem:$0x7FF] =	sst s2  }
0x4: {  	s9 =	simm.s32 $0x800;
	_ =	strace $0x8000004A;
	[dreg:$0x8] =	wrdreg s8  }
0x5: {  	s10 =	simm.s32 $0xC00;
	[dreg:$0x9] =	wrdreg s9  }
0x6: {  	s11 =	simm.s32 $0x1400;
	[dreg:$0xa] =	wrdreg s10  }
0x7: {  	s12 =	simm.s32 $0x1800;
	[dreg:$0xb] =	wrdreg s11  }
0x8: {  	s13 =	simm.s32 $0x2000;
	[dreg:$0xc] =	wrdreg s12  }
0x9: {  	s14 =	simm.s32 $0x2400;
	[dreg:$0xd] =	wrdreg s13  }
0xa: {  	s15 =	simm.s32 $0x2C00;
	[dreg:$0xe] =	wrdreg s14  }
0xb: {  	s16 =	simm.s32 $0x3000;
	[dreg:$0xf] =	wrdreg s15  }
0xc: {  	s17 =	simm.s32 $0x3800;
	[dreg:$0x10] =	wrdreg s16  }
0xd: {  	s18 =	simm.s32 $0x3C00;
	[dreg:$0x11] =	wrdreg s17  }
0xe: {  	s19 =	simm.s32 $0x4400;
	[dreg:$0x12] =	wrdreg s18  }
0xf: {  	s20 =	simm.s32 $0x4800;
	[dreg:$0x13] =	wrdreg s19  }
0x10: {  	s21 =	simm.s32 $0x5000;
	[dreg:$0x14] =	wrdreg s20  }
0x11: {  	s22 =	simm.s32 $0x5400;
	[dreg:$0x15] =	wrdreg s21  }
0x12: {  	s23 =	simm.s32 $0x5C00;
	[dreg:$0x16] =	wrdreg s22  }
0x13: {  	s24 =	simm.s32 $0x6000;
	[dreg:$0x17] =	wrdreg s23  }
0x14: {  	s25 =	simm.s32 $0x6800;
	[dreg:$0x18] =	wrdreg s24  }
0x15: {  	s26 =	simm.s32 $0x6C00;
	[dreg:$0x19] =	wrdreg s25  }
0x16: {  	[dreg:$0x1a] =	wrdreg s26;
	s8 =	simm.s32 $0x8C00  }
0x17: {  	s9 =	simm.s32 $0x9000;
	[dreg:$0x1f] =	wrdreg s8  }
0x18: {  	s10 =	simm.s32 $0x9800;
	[smem:$0x7ED] =	sst s9  }
0x19: {  	s11 =	simm.s32 $0x9C00;
	[smem:$0x7EE] =	sst s10  }
0x1a: {  	s12 =	simm.s32 $0xA400;
	[smem:$0x7EF] =	sst s11  }
0x1b: {  	s13 =	simm.s32 $0xA800;
	[smem:$0x7F0] =	sst s12  }
0x1c: {  	s0 =	stileid.u32;
	s14 =	simm.s32 $0xB000;
	[smem:$0x7F1] =	sst s13  }
0x1d: {  	s28 =	simm.s32 $0x17000;
	s15 =	simm.s32 $0xB400;
	[smem:$0x7F2] =	sst s14  }
0x1e: {  	s29 =	simm.s32 $0x17400;
	s16 =	simm.s32 $0xBC00;
	[smem:$0x7F3] =	sst s15  }
0x1f: {  	s30 =	simm.s32 $0x17C00;
	s17 =	simm.s32 $0xC800;
	[smem:$0x7F4] =	sst s16  }
0x20: {  	s31 =	simm.s32 $0x1;
	s18 =	simm.s32 $0xCC00;
	[smem:$0x7F5] =	sst s17  }
0x21: {  	s5 =	sshll.u32 s0, $0x5;
	s19 =	simm.s32 $0xD400;
	[smem:$0x7F6] =	sst s18  }
0x22: {  	s6 =	sshll.u32 s4, $0x4;
	s20 =	simm.s32 $0xD800;
	[smem:$0x7F7] =	sst s19  }
0x23: {  	s4 =	ssub.s32 $0x2, s4;
	s21 =	simm.s32 $0xE000;
	[smem:$0x7F8] =	sst s20  }
0x24: {  	s5 =	sor.u32 s6, s5;
	s23 =	simm.s32 $0xE400;
	[smem:$0x7F9] =	sst s21  }
0x25: {  	s22 =	sshrl.u32 s4, $0x1;
	s24 =	simm.s32 $0xEC00;
	[smem:$0x7FA] =	sst s23  }
0x26: {  	s25 =	simm.s32 $0xF000;
	s26 =	simm.s32 $0xF800;
	[smem:$0x7FB] =	sst s24  }
0x27: {  	s6 =	sadd.s32 s5, s1;
	s5 =	smul.u32 $0x180, s5;
	[smem:$0x7FC] =	sst s25  }
0x28: {  	[smem:$0x7FD] =	sst s26;
	s9 =	simm.s32 $0x10400;
	s10 =	simm.s32 $0x10800  }
0x29: {  	s11 =	simm.s32 $0x11000;
	s12 =	simm.s32 $0x11400;
	s13 =	simm.s32 $0x11C00  }
0x2a: {  	s14 =	simm.s32 $0x12000;
	s15 =	simm.s32 $0x12800;
	s16 =	simm.s32 $0x12C00  }
0x2b: {  	s17 =	simm.s32 $0x13400;
	s18 =	simm.s32 $0x13800;
	s7 =	sadd.s32 $0xD3600, s6  }
0x2c: {  	s19 =	simm.s32 $0x14000;
	s6 =	sadd.s32 $0xD3800, s6;
	[dreg:$0x3] =	wrdreg s7  }
0x2d: {  	s20 =	simm.s32 $0x14400;
	[dreg:$0x4] =	wrdreg s6;
	s3 =	sadd.s32 s3, s5  }
0x2e: {  	s21 =	simm.s32 $0x14C00;
	s7 =	simm.s32 $0x18000;
	[dreg:$0x5] =	wrdreg s3  }
0x2f: {  	s0 =	sadd.s32 s5, s1;
	s5 =	simm.s32 $0x7800;
	[dreg:$0x7] =	wrdreg s7  }
0x30: {  	s23 =	simm.s32 $0x15800;
	s6 =	sadd.s32 $0x10200, s0;
	[dreg:$0x1c] =	wrdreg s5  }
0x31: {  	s24 =	simm.s32 $0x15C00;
	s0 =	simm.s32 $0x7400;
	[dreg:$0x6] =	wrdreg s6  }
0x32: {  	s25 =	simm.s32 $0x16400;
	s7 =	simm.s32 $0x8400;
	[dreg:$0x1b] =	wrdreg s0  }
0x33: {  	s26 =	simm.s32 $0x16800;
	s6 =	simm.s32 $0x8000;
	[dreg:$0x1e] =	wrdreg s7  }
0x34: {  	v2 =	vlaneseq.u32;
	s3 =	sadd.s32 $0xD3A00, s1;
	s7 =	simm.s32 $0xC000;
	[dreg:$0x1d] =	wrdreg s6  }
0x35: {  	vm0 =	vmmov $0xffff;
	vm1 =	vmmov $0xff;
	v1 =	vshrl.u32 v2, $0x3;
	s6 =	ssub.s32 s4, s22;
	s4 =	sadd.s32 $0xD3B00, s1;
	s22 =	simm.s32 $0x15000  }
0x36: {  	v0 =	vand.u32 $0x7, v2;
	v2 =	vor.u32 $0x8, v2;
	v1 =	vmul.u32 $0x8, v1;
	s1 =	simm.s32 $0x2;
	s5 =	smax.u32 s6, $0x1;
	s6 =	simm.s32 $0x3  }
.LBB2_1:
0x37: {  	s0 =	rddreg [dreg:$0x3]  }
0x38: {  	s8 =	rddreg [dreg:$0x7]  }
0x39: {  	[tilespmem:s8], [sflag:$0x3] =	stream.linear.gather [hbm4b:s0+s2], $0x80, $0x38;
	[tilespmem:$0x18100] =	vst v63  }
0x3a: {  	_ =	swait.ge [sflag:s6], $0x80  }
0x3b: {  	s0 =	rddreg [dreg:$0x4];
	[sflag:s6] =	ssyncset.done $0x0  }
0x3c: {  	s8 =	rddreg [dreg:$0x8];
	[sflag:s6] =	ssyncadd.s32 $0xFFFFFF80  }
0x3d: {  	[tilespmem:s8], [sflag:$0x3] =	stream.linear.gather [hbm4b:s0+s2], $0x80, $0x38;
	[tilespmem:$0x18100] =	vst v63  }
0x3e: {  	_ =	swait.ge [sflag:s6], $0x80  }
0x3f: {  	[sflag:s6] =	ssyncset.done $0x0  }
0x40: {  	[sflag:s6] =	ssyncadd.s32 $0xFFFFFF80  }
0x41: {  	v3 =	vld [tilespmem:$0x18000];
	_ =	sdelay $0x4  }
0x42: {  	v4 =	vshrl.u32 v3, $0x3  }
0x43: {  	v4 =	vmul.u32 $0x18, v4  }
0x44: {  	v3 =	vand.u32 $0x7, v3  }
0x45: {  	v3 =	vor.u32 v3, v4  }
0x46: {  	v4 =	vperm.xlane v3, v0;
	_ =	sdelay $0x1  }
0x47: {  	v4 =	vadd.s32 v1, v4;
	_ =	sdelay $0x1  }
0x48: {  	v3 =	vperm.xlane v3, v2;
	_ =	sdelay $0x1  }
0x49: {  	v3 =	vadd.s32 v1, v3  }
0x4a: {  	[tilespmem:s2], [sflag:$0x1] =	stream.indirect_vreg.gather [hbm4b:s3+s2], $0x80, v4, vm0, $0xb8;
	[tilespmem:$0x18100] =	vst v63  }
0x4b: {  	s0 =	rddreg [dreg:$0x9]  }
0x4c: {  	[tilespmem:s0], [sflag:$0x1] =	stream.indirect_vreg.gather [hbm4b:s4+s2], $0x80, v4, vm1, $0xb8;
	[tilespmem:$0x18100] =	vst v63  }
0x4d: {  	s8 =	rddreg [dreg:$0xa]  }
0x4e: {  	[tilespmem:s8], [sflag:$0x1] =	stream.indirect_vreg.gather [hbm4b:s3+s2], $0x80, v3, vm0, $0xb8;
	[tilespmem:$0x18100] =	vst v63  }
0x4f: {  	s0 =	rddreg [dreg:$0xb]  }
0x50: {  	[tilespmem:s0], [sflag:$0x1] =	stream.indirect_vreg.gather [hbm4b:s4+s2], $0x80, v3, vm1, $0xb8;
	[tilespmem:$0x18100] =	vst v63  }
0x51: {  	v3 =	vld [tilespmem:$0x18010];
	_ =	sdelay $0x4  }
0x52: {  	v49 =	vshrl.u32 v3, $0x3  }
0x53: {  	v4 =	vmul.u32 $0x18, v49  }
0x54: {  	v3 =	vand.u32 $0x7, v3  }
0x55: {  	v3 =	vor.u32 v3, v4  }
0x56: {  	v4 =	vperm.xlane v3, v0;
	_ =	sdelay $0x1  }
0x57: {  	v4 =	vadd.s32 v1, v4;
	_ =	sdelay $0x1  }
0x58: {  	v3 =	vperm.xlane v3, v2;
	_ =	sdelay $0x1  }
0x59: {  	s0 =	rddreg [dreg:$0xc];
	v3 =	vadd.s32 v1, v3  }
0x5a: {  	[tilespmem:s0], [sflag:$0x1] =	stream.indirect_vreg.gather [hbm4b:s3+s2], $0x80, v4, vm0, $0xb8;
	[tilespmem:$0x18100] =	vst v63  }
0x5b: {  	s8 =	rddreg [dreg:$0xd]  }
0x5c: {  	[tilespmem:s8], [sflag:$0x1] =	stream.indirect_vreg.gather [hbm4b:s4+s2], $0x80, v4, vm1, $0xb8;
	[tilespmem:$0x18100] =	vst v63  }
0x5d: {  	s0 =	rddreg [dreg:$0xe]  }
0x5e: {  	[tilespmem:s0], [sflag:$0x1] =	stream.indirect_vreg.gather [hbm4b:s3+s2], $0x80, v3, vm0, $0xb8;
	[tilespmem:$0x18100] =	vst v63  }
0x5f: {  	s8 =	rddreg [dreg:$0xf]  }
0x60: {  	[tilespmem:s8], [sflag:$0x1] =	stream.indirect_vreg.gather [hbm4b:s4+s2], $0x80, v3, vm1, $0xb8;
	[tilespmem:$0x18100] =	vst v63  }
0x61: {  	v3 =	vld [tilespmem:$0x18020];
	_ =	sdelay $0x4  }
0x62: {  	v50 =	vshrl.u32 v3, $0x3  }
0x63: {  	v4 =	vmul.u32 $0x18, v50  }
0x64: {  	v3 =	vand.u32 $0x7, v3  }
0x65: {  	v3 =	vor.u32 v3, v4  }
0x66: {  	v4 =	vperm.xlane v3, v0;
	_ =	sdelay $0x1  }
0x67: {  	v4 =	vadd.s32 v1, v4;
	_ =	sdelay $0x1  }
0x68: {  	v3 =	vperm.xlane v3, v2;
	_ =	sdelay $0x1  }
0x69: {  	s0 =	rddreg [dreg:$0x10];
	v3 =	vadd.s32 v1, v3  }
0x6a: {  	[tilespmem:s0], [sflag:$0x1] =	stream.indirect_vreg.gather [hbm4b:s3+s2], $0x80, v4, vm0, $0xb8;
	[tilespmem:$0x18100] =	vst v63  }
0x6b: {  	s8 =	rddreg [dreg:$0x11]  }
0x6c: {  	[tilespmem:s8], [sflag:$0x1] =	stream.indirect_vreg.gather [hbm4b:s4+s2], $0x80, v4, vm1, $0xb8;
	[tilespmem:$0x18100] =	vst v63  }
0x6d: {  	s0 =	rddreg [dreg:$0x12]  }
0x6e: {  	[tilespmem:s0], [sflag:$0x1] =	stream.indirect_vreg.gather [hbm4b:s3+s2], $0x80, v3, vm0, $0xb8;
	[tilespmem:$0x18100] =	vst v63  }
0x6f: {  	s8 =	rddreg [dreg:$0x13]  }
0x70: {  	[tilespmem:s8], [sflag:$0x1] =	stream.indirect_vreg.gather [hbm4b:s4+s2], $0x80, v3, vm1, $0xb8;
	[tilespmem:$0x18100] =	vst v63  }
0x71: {  	v3 =	vld [tilespmem:$0x18030];
	_ =	sdelay $0x4  }
0x72: {  	v51 =	vshrl.u32 v3, $0x3  }
0x73: {  	v4 =	vmul.u32 $0x18, v51  }
0x74: {  	v3 =	vand.u32 $0x7, v3  }
0x75: {  	v3 =	vor.u32 v3, v4  }
0x76: {  	v4 =	vperm.xlane v3, v0;
	_ =	sdelay $0x1  }
0x77: {  	v4 =	vadd.s32 v1, v4;
	_ =	sdelay $0x1  }
0x78: {  	v3 =	vperm.xlane v3, v2;
	_ =	sdelay $0x1  }
0x79: {  	s0 =	rddreg [dreg:$0x14];
	v3 =	vadd.s32 v1, v3  }
0x7a: {  	[tilespmem:s0], [sflag:$0x1] =	stream.indirect_vreg.gather [hbm4b:s3+s2], $0x80, v4, vm0, $0xb8;
	[tilespmem:$0x18100] =	vst v63  }
0x7b: {  	s8 =	rddreg [dreg:$0x15]  }
0x7c: {  	[tilespmem:s8], [sflag:$0x1] =	stream.indirect_vreg.gather [hbm4b:s4+s2], $0x80, v4, vm1, $0xb8;
	[tilespmem:$0x18100] =	vst v63  }
0x7d: {  	s0 =	rddreg [dreg:$0x16]  }
0x7e: {  	[tilespmem:s0], [sflag:$0x1] =	stream.indirect_vreg.gather [hbm4b:s3+s2], $0x80, v3, vm0, $0xb8;
	[tilespmem:$0x18100] =	vst v63  }
0x7f: {  	s8 =	rddreg [dreg:$0x17]  }
0x80: {  	[tilespmem:s8], [sflag:$0x1] =	stream.indirect_vreg.gather [hbm4b:s4+s2], $0x80, v3, vm1, $0xb8;
	[tilespmem:$0x18100] =	vst v63  }
0x81: {  	v3 =	vld [tilespmem:$0x18040];
	_ =	sdelay $0x4  }
0x82: {  	v52 =	vshrl.u32 v3, $0x3  }
0x83: {  	v4 =	vmul.u32 $0x18, v52  }
0x84: {  	v3 =	vand.u32 $0x7, v3  }
0x85: {  	v3 =	vor.u32 v3, v4  }
0x86: {  	v4 =	vperm.xlane v3, v0;
	_ =	sdelay $0x1  }
0x87: {  	v4 =	vadd.s32 v1, v4;
	_ =	sdelay $0x1  }
0x88: {  	v3 =	vperm.xlane v3, v2;
	_ =	sdelay $0x1  }
0x89: {  	s0 =	rddreg [dreg:$0x18];
	v3 =	vadd.s32 v1, v3  }
0x8a: {  	[tilespmem:s0], [sflag:$0x1] =	stream.indirect_vreg.gather [hbm4b:s3+s2], $0x80, v4, vm0, $0xb8;
	[tilespmem:$0x18100] =	vst v63  }
0x8b: {  	s8 =	rddreg [dreg:$0x19]  }
0x8c: {  	[tilespmem:s8], [sflag:$0x1] =	stream.indirect_vreg.gather [hbm4b:s4+s2], $0x80, v4, vm1, $0xb8;
	[tilespmem:$0x18100] =	vst v63  }
0x8d: {  	s0 =	rddreg [dreg:$0x1a]  }
0x8e: {  	[tilespmem:s0], [sflag:$0x1] =	stream.indirect_vreg.gather [hbm4b:s3+s2], $0x80, v3, vm0, $0xb8;
	[tilespmem:$0x18100] =	vst v63  }
0x8f: {  	s8 =	rddreg [dreg:$0x1b]  }
0x90: {  	[tilespmem:s8], [sflag:$0x1] =	stream.indirect_vreg.gather [hbm4b:s4+s2], $0x80, v3, vm1, $0xb8;
	[tilespmem:$0x18100] =	vst v63  }
0x91: {  	v3 =	vld [tilespmem:$0x18050];
	_ =	sdelay $0x4  }
0x92: {  	v53 =	vshrl.u32 v3, $0x3  }
0x93: {  	v4 =	vmul.u32 $0x18, v53  }
0x94: {  	v3 =	vand.u32 $0x7, v3  }
0x95: {  	v3 =	vor.u32 v3, v4  }
0x96: {  	v4 =	vperm.xlane v3, v0;
	_ =	sdelay $0x1  }
0x97: {  	v4 =	vadd.s32 v1, v4;
	_ =	sdelay $0x1  }
0x98: {  	v3 =	vperm.xlane v3, v2;
	_ =	sdelay $0x1  }
0x99: {  	s0 =	rddreg [dreg:$0x1c];
	v3 =	vadd.s32 v1, v3  }
0x9a: {  	[tilespmem:s0], [sflag:$0x1] =	stream.indirect_vreg.gather [hbm4b:s3+s2], $0x80, v4, vm0, $0xb8;
	[tilespmem:$0x18100] =	vst v63  }
0x9b: {  	s8 =	rddreg [dreg:$0x1d]  }
0x9c: {  	[tilespmem:s8], [sflag:$0x1] =	stream.indirect_vreg.gather [hbm4b:s4+s2], $0x80, v4, vm1, $0xb8;
	[tilespmem:$0x18100] =	vst v63  }
0x9d: {  	s0 =	rddreg [dreg:$0x1e]  }
0x9e: {  	[tilespmem:s0], [sflag:$0x1] =	stream.indirect_vreg.gather [hbm4b:s3+s2], $0x80, v3, vm0, $0xb8;
	[tilespmem:$0x18100] =	vst v63  }
0x9f: {  	s8 =	rddreg [dreg:$0x1f]  }
0xa0: {  	[tilespmem:s8], [sflag:$0x1] =	stream.indirect_vreg.gather [hbm4b:s4+s2], $0x80, v3, vm1, $0xb8;
	[tilespmem:$0x18100] =	vst v63  }
0xa1: {  	v3 =	vld [tilespmem:$0x18060];
	_ =	sdelay $0x4  }
0xa2: {  	v54 =	vshrl.u32 v3, $0x3  }
0xa3: {  	v4 =	vmul.u32 $0x18, v54  }
0xa4: {  	v3 =	vand.u32 $0x7, v3  }
0xa5: {  	v3 =	vor.u32 v3, v4  }
0xa6: {  	v4 =	vperm.xlane v3, v0;
	_ =	sdelay $0x1  }
0xa7: {  	v4 =	vadd.s32 v1, v4;
	_ =	sdelay $0x1  }
0xa8: {  	s0 =	sld [smem:$0x7ED];
	v3 =	vperm.xlane v3, v2;
	_ =	sdelay $0x1  }
0xa9: {  	s8 =	sld [smem:$0x7EE];
	v3 =	vadd.s32 v1, v3  }
0xaa: {  	[tilespmem:s0], [sflag:$0x1] =	stream.indirect_vreg.gather [hbm4b:s3+s2], $0x80, v4, vm0, $0xb8;
	[tilespmem:$0x18100] =	vst v63  }
0xab: {  	s0 =	sld [smem:$0x7EF]  }
0xac: {  	[tilespmem:s8], [sflag:$0x1] =	stream.indirect_vreg.gather [hbm4b:s4+s2], $0x80, v4, vm1, $0xb8;
	[tilespmem:$0x18100] =	vst v63  }
0xad: {  	s8 =	sld [smem:$0x7F0]  }
0xae: {  	[tilespmem:s0], [sflag:$0x1] =	stream.indirect_vreg.gather [hbm4b:s3+s2], $0x80, v3, vm0, $0xb8;
	[tilespmem:$0x18100] =	vst v63  }
0xaf: {  	_ = 	snop  }
0xb0: {  	[tilespmem:s8], [sflag:$0x1] =	stream.indirect_vreg.gather [hbm4b:s4+s2], $0x80, v3, vm1, $0xb8;
	[tilespmem:$0x18100] =	vst v63  }
0xb1: {  	v3 =	vld [tilespmem:$0x18070];
	_ =	sdelay $0x4  }
0xb2: {  	v55 =	vshrl.u32 v3, $0x3  }
0xb3: {  	v4 =	vmul.u32 $0x18, v55  }
0xb4: {  	v3 =	vand.u32 $0x7, v3  }
0xb5: {  	v3 =	vor.u32 v3, v4  }
0xb6: {  	v4 =	vperm.xlane v3, v0;
	_ =	sdelay $0x1  }
0xb7: {  	v4 =	vadd.s32 v1, v4;
	_ =	sdelay $0x1  }
0xb8: {  	s0 =	sld [smem:$0x7F1];
	v3 =	vperm.xlane v3, v2;
	_ =	sdelay $0x1  }
0xb9: {  	s8 =	sld [smem:$0x7F2];
	v3 =	vadd.s32 v1, v3  }
0xba: {  	[tilespmem:s0], [sflag:$0x1] =	stream.indirect_vreg.gather [hbm4b:s3+s2], $0x80, v4, vm0, $0xb8;
	[tilespmem:$0x18100] =	vst v63  }
0xbb: {  	s0 =	sld [smem:$0x7F3]  }
0xbc: {  	[tilespmem:s8], [sflag:$0x1] =	stream.indirect_vreg.gather [hbm4b:s4+s2], $0x80, v4, vm1, $0xb8;
	[tilespmem:$0x18100] =	vst v63  }
0xbd: {  	s8 =	sld [smem:$0x7F4]  }
0xbe: {  	[tilespmem:s0], [sflag:$0x1] =	stream.indirect_vreg.gather [hbm4b:s3+s2], $0x80, v3, vm0, $0xb8;
	[tilespmem:$0x18100] =	vst v63  }
0xbf: {  	_ = 	snop  }
0xc0: {  	[tilespmem:s8], [sflag:$0x1] =	stream.indirect_vreg.gather [hbm4b:s4+s2], $0x80, v3, vm1, $0xb8;
	[tilespmem:$0x18100] =	vst v63  }
0xc1: {  	v3 =	vld [tilespmem:$0x18080];
	_ =	sdelay $0x4  }
0xc2: {  	v56 =	vshrl.u32 v3, $0x3  }
0xc3: {  	v4 =	vmul.u32 $0x18, v56  }
0xc4: {  	v3 =	vand.u32 $0x7, v3  }
0xc5: {  	v3 =	vor.u32 v3, v4  }
0xc6: {  	v4 =	vperm.xlane v3, v0;
	_ =	sdelay $0x1  }
0xc7: {  	v4 =	vadd.s32 v1, v4;
	_ =	sdelay $0x1  }
0xc8: {  	v3 =	vperm.xlane v3, v2;
	_ =	sdelay $0x1  }
0xc9: {  	s0 =	sld [smem:$0x7F5];
	v3 =	vadd.s32 v1, v3  }
0xca: {  	[tilespmem:s7], [sflag:$0x2] =	stream.indirect_vreg.gather [hbm4b:s3+s2], $0x80, v4, vm0, $0xb8;
	[tilespmem:$0x18100] =	vst v63  }
0xcb: {  	s8 =	sld [smem:$0x7F6]  }
0xcc: {  	[tilespmem:s0], [sflag:$0x2] =	stream.indirect_vreg.gather [hbm4b:s4+s2], $0x80, v4, vm1, $0xb8;
	[tilespmem:$0x18100] =	vst v63  }
0xcd: {  	s0 =	sld [smem:$0x7F7]  }
0xce: {  	[tilespmem:s8], [sflag:$0x2] =	stream.indirect_vreg.gather [hbm4b:s3+s2], $0x80, v3, vm0, $0xb8;
	[tilespmem:$0x18100] =	vst v63  }
0xcf: {  	_ = 	snop  }
0xd0: {  	[tilespmem:s0], [sflag:$0x2] =	stream.indirect_vreg.gather [hbm4b:s4+s2], $0x80, v3, vm1, $0xb8;
	[tilespmem:$0x18100] =	vst v63  }
0xd1: {  	v3 =	vld [tilespmem:$0x18090];
	_ =	sdelay $0x4  }
0xd2: {  	v57 =	vshrl.u32 v3, $0x3  }
0xd3: {  	v4 =	vmul.u32 $0x18, v57  }
0xd4: {  	v3 =	vand.u32 $0x7, v3  }
0xd5: {  	v3 =	vor.u32 v3, v4  }
0xd6: {  	v4 =	vperm.xlane v3, v0;
	_ =	sdelay $0x1  }
0xd7: {  	v4 =	vadd.s32 v1, v4;
	_ =	sdelay $0x1  }
0xd8: {  	s0 =	sld [smem:$0x7F8];
	v3 =	vperm.xlane v3, v2;
	_ =	sdelay $0x1  }
0xd9: {  	s8 =	sld [smem:$0x7F9];
	v3 =	vadd.s32 v1, v3  }
0xda: {  	[tilespmem:s0], [sflag:$0x2] =	stream.indirect_vreg.gather [hbm4b:s3+s2], $0x80, v4, vm0, $0xb8;
	[tilespmem:$0x18100] =	vst v63  }
0xdb: {  	s0 =	sld [smem:$0x7FA]  }
0xdc: {  	[tilespmem:s8], [sflag:$0x2] =	stream.indirect_vreg.gather [hbm4b:s4+s2], $0x80, v4, vm1, $0xb8;
	[tilespmem:$0x18100] =	vst v63  }
0xdd: {  	s8 =	sld [smem:$0x7FB]  }
0xde: {  	[tilespmem:s0], [sflag:$0x2] =	stream.indirect_vreg.gather [hbm4b:s3+s2], $0x80, v3, vm0, $0xb8;
	[tilespmem:$0x18100] =	vst v63  }
0xdf: {  	_ = 	snop  }
0xe0: {  	[tilespmem:s8], [sflag:$0x2] =	stream.indirect_vreg.gather [hbm4b:s4+s2], $0x80, v3, vm1, $0xb8;
	[tilespmem:$0x18100] =	vst v63  }
0xe1: {  	v3 =	vld [tilespmem:$0x180A0];
	_ =	sdelay $0x4  }
0xe2: {  	v58 =	vshrl.u32 v3, $0x3  }
0xe3: {  	v4 =	vmul.u32 $0x18, v58  }
0xe4: {  	v3 =	vand.u32 $0x7, v3  }
0xe5: {  	v3 =	vor.u32 v3, v4  }
0xe6: {  	v4 =	vperm.xlane v3, v0;
	_ =	sdelay $0x1  }
0xe7: {  	v4 =	vadd.s32 v1, v4;
	_ =	sdelay $0x1  }
0xe8: {  	s0 =	sld [smem:$0x7FC];
	v3 =	vperm.xlane v3, v2;
	_ =	sdelay $0x1  }
0xe9: {  	s8 =	sld [smem:$0x7FD];
	v3 =	vadd.s32 v1, v3  }
0xea: {  	[tilespmem:s0], [sflag:$0x2] =	stream.indirect_vreg.gather [hbm4b:s3+s2], $0x80, v4, vm0, $0xb8;
	[tilespmem:$0x18100] =	vst v63  }
0xeb: {  	_ = 	snop  }
0xec: {  	[tilespmem:s8], [sflag:$0x2] =	stream.indirect_vreg.gather [hbm4b:s4+s2], $0x80, v4, vm1, $0xb8;
	[tilespmem:$0x18100] =	vst v63  }
0xed: {  	s8 =	simm.s32 $0xFC00  }
0xee: {  	[tilespmem:s8], [sflag:$0x2] =	stream.indirect_vreg.gather [hbm4b:s3+s2], $0x80, v3, vm0, $0xb8;
	[tilespmem:$0x18100] =	vst v63  }
0xef: {  	_ = 	snop  }
0xf0: {  	[tilespmem:s9], [sflag:$0x2] =	stream.indirect_vreg.gather [hbm4b:s4+s2], $0x80, v3, vm1, $0xb8;
	[tilespmem:$0x18100] =	vst v63  }
0xf1: {  	v3 =	vld [tilespmem:$0x180B0];
	_ =	sdelay $0x4  }
0xf2: {  	v59 =	vshrl.u32 v3, $0x3  }
0xf3: {  	v4 =	vmul.u32 $0x18, v59  }
0xf4: {  	v3 =	vand.u32 $0x7, v3  }
0xf5: {  	v3 =	vor.u32 v3, v4  }
0xf6: {  	v4 =	vperm.xlane v3, v0;
	_ =	sdelay $0x1  }
0xf7: {  	v4 =	vadd.s32 v1, v4;
	_ =	sdelay $0x1  }
0xf8: {  	v3 =	vperm.xlane v3, v2;
	_ =	sdelay $0x1  }
0xf9: {  	v3 =	vadd.s32 v1, v3  }
0xfa: {  	[tilespmem:s10], [sflag:$0x2] =	stream.indirect_vreg.gather [hbm4b:s3+s2], $0x80, v4, vm0, $0xb8;
	[tilespmem:$0x18100] =	vst v63  }
0xfb: {  	_ = 	snop  }
0xfc: {  	[tilespmem:s11], [sflag:$0x2] =	stream.indirect_vreg.gather [hbm4b:s4+s2], $0x80, v4, vm1, $0xb8;
	[tilespmem:$0x18100] =	vst v63  }
0xfd: {  	_ = 	snop  }
0xfe: {  	[tilespmem:s12], [sflag:$0x2] =	stream.indirect_vreg.gather [hbm4b:s3+s2], $0x80, v3, vm0, $0xb8;
	[tilespmem:$0x18100] =	vst v63  }
0xff: {  	_ = 	snop  }
0x100: {  	[tilespmem:s13], [sflag:$0x2] =	stream.indirect_vreg.gather [hbm4b:s4+s2], $0x80, v3, vm1, $0xb8;
	[tilespmem:$0x18100] =	vst v63  }
0x101: {  	v3 =	vld [tilespmem:$0x180C0];
	_ =	sdelay $0x4  }
0x102: {  	v60 =	vshrl.u32 v3, $0x3  }
0x103: {  	v4 =	vmul.u32 $0x18, v60  }
0x104: {  	v3 =	vand.u32 $0x7, v3  }
0x105: {  	v3 =	vor.u32 v3, v4  }
0x106: {  	v4 =	vperm.xlane v3, v0;
	_ =	sdelay $0x1  }
0x107: {  	v4 =	vadd.s32 v1, v4;
	_ =	sdelay $0x1  }
0x108: {  	v3 =	vperm.xlane v3, v2;
	_ =	sdelay $0x1  }
0x109: {  	v3 =	vadd.s32 v1, v3  }
0x10a: {  	[tilespmem:s14], [sflag:$0x2] =	stream.indirect_vreg.gather [hbm4b:s3+s2], $0x80, v4, vm0, $0xb8;
	[tilespmem:$0x18100] =	vst v63  }
0x10b: {  	_ = 	snop  }
0x10c: {  	[tilespmem:s15], [sflag:$0x2] =	stream.indirect_vreg.gather [hbm4b:s4+s2], $0x80, v4, vm1, $0xb8;
	[tilespmem:$0x18100] =	vst v63  }
0x10d: {  	_ = 	snop  }
0x10e: {  	[tilespmem:s16], [sflag:$0x2] =	stream.indirect_vreg.gather [hbm4b:s3+s2], $0x80, v3, vm0, $0xb8;
	[tilespmem:$0x18100] =	vst v63  }
0x10f: {  	_ = 	snop  }
0x110: {  	[tilespmem:s17], [sflag:$0x2] =	stream.indirect_vreg.gather [hbm4b:s4+s2], $0x80, v3, vm1, $0xb8;
	[tilespmem:$0x18100] =	vst v63  }
0x111: {  	v3 =	vld [tilespmem:$0x180D0];
	_ =	sdelay $0x4  }
0x112: {  	v61 =	vshrl.u32 v3, $0x3  }
0x113: {  	v4 =	vmul.u32 $0x18, v61  }
0x114: {  	v3 =	vand.u32 $0x7, v3  }
0x115: {  	v3 =	vor.u32 v3, v4  }
0x116: {  	v4 =	vperm.xlane v3, v0;
	_ =	sdelay $0x1  }
0x117: {  	v4 =	vadd.s32 v1, v4;
	_ =	sdelay $0x1  }
0x118: {  	v3 =	vperm.xlane v3, v2;
	_ =	sdelay $0x1  }
0x119: {  	v3 =	vadd.s32 v1, v3  }
0x11a: {  	[tilespmem:s18], [sflag:$0x2] =	stream.indirect_vreg.gather [hbm4b:s3+s2], $0x80, v4, vm0, $0xb8;
	[tilespmem:$0x18100] =	vst v63  }
0x11b: {  	_ = 	snop  }
0x11c: {  	[tilespmem:s19], [sflag:$0x2] =	stream.indirect_vreg.gather [hbm4b:s4+s2], $0x80, v4, vm1, $0xb8;
	[tilespmem:$0x18100] =	vst v63  }
0x11d: {  	_ = 	snop  }
0x11e: {  	[tilespmem:s20], [sflag:$0x2] =	stream.indirect_vreg.gather [hbm4b:s3+s2], $0x80, v3, vm0, $0xb8;
	[tilespmem:$0x18100] =	vst v63  }
0x11f: {  	_ = 	snop  }
0x120: {  	[tilespmem:s21], [sflag:$0x2] =	stream.indirect_vreg.gather [hbm4b:s4+s2], $0x80, v3, vm1, $0xb8;
	[tilespmem:$0x18100] =	vst v63  }
0x121: {  	v3 =	vld [tilespmem:$0x180E0];
	_ =	sdelay $0x4  }
0x122: {  	v62 =	vshrl.u32 v3, $0x3  }
0x123: {  	v4 =	vmul.u32 $0x18, v62  }
0x124: {  	v3 =	vand.u32 $0x7, v3  }
0x125: {  	v3 =	vor.u32 v3, v4  }
0x126: {  	v4 =	vperm.xlane v3, v0;
	_ =	sdelay $0x1  }
0x127: {  	v4 =	vadd.s32 v1, v4;
	_ =	sdelay $0x1  }
0x128: {  	v3 =	vperm.xlane v3, v2;
	_ =	sdelay $0x1  }
0x129: {  	v3 =	vadd.s32 v1, v3  }
0x12a: {  	[tilespmem:s22], [sflag:$0x2] =	stream.indirect_vreg.gather [hbm4b:s3+s2], $0x80, v4, vm0, $0xb8;
	[tilespmem:$0x18100] =	vst v63  }
0x12b: {  	_ = 	snop  }
0x12c: {  	[tilespmem:s23], [sflag:$0x2] =	stream.indirect_vreg.gather [hbm4b:s4+s2], $0x80, v4, vm1, $0xb8;
	[tilespmem:$0x18100] =	vst v63  }
0x12d: {  	_ = 	snop  }
0x12e: {  	[tilespmem:s24], [sflag:$0x2] =	stream.indirect_vreg.gather [hbm4b:s3+s2], $0x80, v3, vm0, $0xb8;
	[tilespmem:$0x18100] =	vst v63  }
0x12f: {  	_ = 	snop  }
0x130: {  	[tilespmem:s25], [sflag:$0x2] =	stream.indirect_vreg.gather [hbm4b:s4+s2], $0x80, v3, vm1, $0xb8;
	[tilespmem:$0x18100] =	vst v63  }
0x131: {  	v3 =	vld [tilespmem:$0x180F0];
	_ =	sdelay $0x4  }
0x132: {  	v63 =	vshrl.u32 v3, $0x3  }
0x133: {  	v4 =	vmul.u32 $0x18, v63  }
0x134: {  	v3 =	vand.u32 $0x7, v3  }
0x135: {  	v3 =	vor.u32 v3, v4  }
0x136: {  	v4 =	vperm.xlane v3, v0;
	_ =	sdelay $0x1  }
0x137: {  	v4 =	vadd.s32 v1, v4;
	_ =	sdelay $0x1  }
0x138: {  	v3 =	vperm.xlane v3, v2;
	_ =	sdelay $0x1  }
0x139: {  	v3 =	vadd.s32 v1, v3  }
0x13a: {  	[tilespmem:s26], [sflag:$0x2] =	stream.indirect_vreg.gather [hbm4b:s3+s2], $0x80, v4, vm0, $0xb8;
	[tilespmem:$0x18100] =	vst v63  }
0x13b: {  	_ = 	snop  }
0x13c: {  	[tilespmem:s28], [sflag:$0x2] =	stream.indirect_vreg.gather [hbm4b:s4+s2], $0x80, v4, vm1, $0xb8;
	[tilespmem:$0x18100] =	vst v63  }
0x13d: {  	_ = 	snop  }
0x13e: {  	[tilespmem:s29], [sflag:$0x2] =	stream.indirect_vreg.gather [hbm4b:s3+s2], $0x80, v3, vm0, $0xb8;
	[tilespmem:$0x18100] =	vst v63  }
0x13f: {  	_ = 	snop  }
0x140: {  	[tilespmem:s30], [sflag:$0x2] =	stream.indirect_vreg.gather [hbm4b:s4+s2], $0x80, v3, vm1, $0xb8;
	[tilespmem:$0x18100] =	vst v63  }
0x141: {  	_ =	swait.ge [sflag:s31], $0xC000  }
0x142: {  	[sflag:s31] =	ssyncset.done $0x0  }
0x143: {  	s8 =	rddreg [dreg:$0x5];
	[sflag:s31] =	ssyncadd.s32 $0xFFFF4000  }
0x144: {  	[hbm4b:s8+s2] =	stream.linear.scatter [tilespmem:s2], [sflag:$0x1], $0xC000, $0x38;
	[tilespmem:$0x18100] =	vst v63  }
0x145: {  	_ =	swait.ge [sflag:s1], $0xC000  }
0x146: {  	[sflag:s1] =	ssyncset.done $0x0  }
0x147: {  	s8 =	rddreg [dreg:$0x6];
	[sflag:s1] =	ssyncadd.s32 $0xFFFF4000  }
0x148: {  	[hbm4b:s8+s2] =	stream.linear.scatter [tilespmem:s7], [sflag:$0x2], $0xC000, $0x38;
	[tilespmem:$0x18100] =	vst v63  }
0x149: {  	p0 =	sne.s32 s5, $0x1;
	_ =	swait.ge [sflag:s31], $0xC000  }
.Ltmp0:
0x14a: {  	[sflag:s31] =	ssyncset.done $0x0;
	(pc) =	sbr.rel @p0 .LBB2_1-.Ltmp0, $4  }
0x14b: {  	[sflag:s31] =	ssyncadd.s32 $0xFFFF4000  }
0x14c: {  	_ =	swait.ge [sflag:s1], $0xC000  }
0x14d: {  	[sflag:s1] =	ssyncset.done $0x0  }
0x14e: {  	s5 =	sadd.s32 $0xFFFFFFFF, s5;
	[sflag:s1] =	ssyncadd.s32 $0xFFFF4000  }
0x14f: {  	_ =	sfence.sel $0x180000  }
0x150: {  	[bflag:$0x0] =	sbarrier.arrive $0xFFFF  }
0x151: {  	_ =	strace $0x9000004A  }
0x152: {  	s0 =	stileid.u32;
	[bflag:$0x2] =	sbarrier.arrive $0xFFFF  }
0x153: {  	p0 =	sne.s32 s0, $0x0;
	s0 =	rddreg [dreg:$0x2]  }
0x154: {  	s0 =	sadd.s32 @!p0 $0x100000, s0  }
0x155: {  	[sflag:s0] =	ssyncadd.tile.s32 @!p0 $0x1;
	_ =	shalt  }
.Lfunc_end2:
_tile_overlayer_lowered:
.L_overlay_start_2:
0x156: {  	(tag) =	ssettag $0x2  }
0x157: {  	s0 =	rddreg [dreg:$0x0];
	s2 =	stileid.u32  }
0x158: {  	s1 =	rddreg [dreg:$0x1];
	p0 =	sne.s32 s2, $0x0  }
0x159: {  	s3 =	rddreg [dreg:$0x2];
	[bflag:$0x3] =	sbarrier.arrive $0xFFFF;
	s2 =	simm.s32 @!p0 $0x1C03  }
0x15a: {  	[timem:s3], [sflag:s2] =	dma.local @!p0 [hbm:s0], s1  }
0x15b: {  	s0 =	simm.s32 @!p0 $0x3  }
0x15c: {  	_ =	swait.ge @!p0 [sflag:s0], s1  }
0x15d: {  	s1 =	ssub.s32 @!p0 $0x0, s1;
	[sflag:s0] =	ssyncset.done @!p0 $0x0  }
0x15e: {  	[sflag:s0] =	ssyncadd.s32 @!p0 s1  }
0x15f: {  	[bflag:$0x3] =	sbarrier.arrive $0xFFFF  }
0x160: {  	_ =	shalt  }

// kernel: kernel.7.cloned.1.call-start
scs
__scs_entry_jumppad:
0x0: {  	(pc) =	sbr.rel $0x88, $3  }
0x1: {  	(tag) =	ssettag $0x0;
	lr =	simm.s32 $0x1  }
0x2: {  	[smem:$0x3F9D] =	sst lr;
	_ =	strace $0xD0000000  }
0x3: {  	_ = 	snop  }
0x4: {  	_ = 	snop  }
0x5: {  	_ = 	snop  }
0x6: {  	_ = 	snop  }
0x7: {  	_ = 	snop  }
__scs_overlays_trampoline_lowered:
0x8: {  	[smem:$0x3FAC] =	sst s0  }
0x9: {  	[smem:$0x3FAD] =	sst s1  }
0xa: {  	[smem:$0x3FAE] =	sst s2  }
0xb: {  	[smem:$0x3FAF] =	sst s3  }
0xc: {  	[smem:$0x3FB0] =	sst s4  }
0xd: {  	[smem:$0x3FB1] =	sst s5  }
0xe: {  	[smem:$0x3FB2] =	sst s6  }
0xf: {  	[smem:$0x3FB3] =	sst s7  }
0x10: {  	[smem:$0x3FB4] =	sst s8  }
0x11: {  	[smem:$0x3FB5] =	sst s9;
	s0 =	simm.s32 @!p0 $0x0  }
0x12: {  	s1 =	sld [smem:$0x3F9B];
	s0 =	simm.s32 @p0 $0x1  }
0x13: {  	[smem:$0x3FB6] =	sst s0;
	s0 =	simm.s32 @!p1 $0x0  }
0x14: {  	s2 =	sld [smem:$0x3F9A];
	s0 =	simm.s32 @p1 $0x1  }
0x15: {  	[smem:$0x3FB7] =	sst s0;
	s0 =	simm.s32 @!p2 $0x0  }
0x16: {  	s3 =	sld [smem:$0x3FDB];
	s0 =	simm.s32 @p2 $0x1  }
0x17: {  	s4 =	simm.s32 $0x1BF5;
	[smem:$0x3FB9] =	sst s0  }
0x18: {  	s0 =	sld [smem:$0x3F9C];
	_ =	swait.ge [sflag:s4], $0x0  }
0x19: {  	s7 =	sld [smem:$0x3F9D]  }
0x1a: {  	s8 =	sadd.s32 $0xFFFFE003, lr  }
0x1b: {  	s9 =	sadd.s32 $0xFFFFFEF7, lr;
	s5 =	simm.s32 $0xFFFFFFFF;
	p2 =	slt.u32 s8, $0xFFFFF086  }
0x1c: {  	p1 =	slt.u32 s9, $0xF7A;
	s5 =	simm.s32 @!p2 $0x0  }
0x1d: {  	s5 =	simm.s32 @p1 $0x1;
	p0 =	seq.s32 s7, s2  }
0x1e: {  	s7 =	smul.u32 @!p0 $0xF7A, s2;
	p2 =	seq.s32 @!p0 s5, $0x0  }
0x1f: {  	s9 =	smul.u32 $0xF7A, s1;
	s8 =	simm.s32 @!p0 $0x1BF5;
	p2 =	por !p2, p0  }
0x20: {  	[sflag:s8] =	ssyncset.s32 @!p0 $0xFFFFF086;
	s6 =	sadd.s32 @!p0 s3, s7;
	s7 =	simm.s32 @!p0 $0x108  }
0x21: {  	s3 =	sadd.s32 s3, s9;
	s6 =	sadd.s32 @!p0 $0x88, s6;
	s7 =	simm.s32 @p2 $0x1082  }
0x22: {  	[simem:s7], [sflag:s8] =	dma.local @!p0 [hbm:s6], $0xF7A  }
0x23: {  	s9 =	sor.u32 $0xD0000000, s2;
	s6 =	simm.s32 $0x108;
	_ =	swait.ge @!p0 [sflag:s8], $0x0  }
0x24: {  	s3 =	sadd.s32 $0x88, s3;
	s6 =	simm.s32 @!p1 $0x1082;
	[sflag:s4] =	ssyncset.s32 $0xFFFFF086  }
0x25: {  	[simem:s6], [sflag:s4] =	dma.local [hbm:s3], $0xF7A  }
0x26: {  	[smem:$0x3F9D] =	sst s1;
	(tag) =	ssettag s2;
	_ =	strace s9  }
0x27: {  	s1 =	sld [smem:$0x3FAD]  }
0x28: {  	s2 =	sld [smem:$0x3FAE]  }
0x29: {  	s4 =	sld [smem:$0x3FB0]  }
0x2a: {  	p0 =	seq.s32 s5, $0x0;
	s5 =	sld [smem:$0x3FB1]  }
0x2b: {  	s6 =	sld [smem:$0x3FB2]  }
0x2c: {  	s7 =	sld [smem:$0x3FB3]  }
0x2d: {  	s3 =	simm.s32 $0x108;
	s8 =	sld [smem:$0x3FB4]  }
0x2e: {  	s3 =	simm.s32 @!p0 $0x1082;
	s9 =	sld [smem:$0x3FB5]  }
0x2f: {  	lr =	sadd.s32 s0, s3;
	s0 =	sld [smem:$0x3FAC]  }
0x30: {  	s3 =	sld [smem:$0x3FAF]  }
0x31: {  	[smem:$0x3FB8] =	sst s10  }
0x32: {  	s10 =	sld [smem:$0x3FB6];
	_ =	sdelay $0x3  }
0x33: {  	p0 =	seq.s32 s10, $0x1;
	s10 =	sld [smem:$0x3FB8];
	_ =	sdelay $0x3  }
0x34: {  	[smem:$0x3FB8] =	sst s10  }
0x35: {  	s10 =	sld [smem:$0x3FB7];
	_ =	sdelay $0x3  }
0x36: {  	p1 =	seq.s32 s10, $0x1;
	s10 =	sld [smem:$0x3FB8];
	_ =	sdelay $0x3  }
0x37: {  	[smem:$0x3FB8] =	sst s10  }
0x38: {  	s10 =	sld [smem:$0x3FB9]  }
0x39: {  	_ = 	snop;
	(pc) =	sbr.ind lr, $3  }
0x3a: {  	_ = 	snop  }
0x3b: {  	_ = 	snop  }
0x3c: {  	p2 =	seq.s32 s10, $0x1;
	s10 =	sld [smem:$0x3FB8]  }
0x3d: {  	_ =	shalt  }
0x3e: {  	_ =	shalt  }
0x3f: {  	_ =	shalt  }
0x40: {  	_ =	shalt  }
0x41: {  	_ =	shalt  }
0x42: {  	_ =	shalt  }
0x43: {  	_ =	shalt  }
0x44: {  	_ =	shalt  }
0x45: {  	_ =	shalt  }
0x46: {  	_ =	shalt  }
0x47: {  	_ =	shalt  }
0x48: {  	_ =	shalt  }
0x49: {  	_ =	shalt  }
0x4a: {  	_ =	shalt  }
0x4b: {  	_ =	shalt  }
0x4c: {  	_ =	shalt  }
0x4d: {  	_ =	shalt  }
0x4e: {  	_ =	shalt  }
0x4f: {  	_ =	shalt  }
0x50: {  	_ =	shalt  }
0x51: {  	_ =	shalt  }
0x52: {  	_ =	shalt  }
0x53: {  	_ =	shalt  }
0x54: {  	_ =	shalt  }
0x55: {  	_ =	shalt  }
0x56: {  	_ =	shalt  }
0x57: {  	_ =	shalt  }
0x58: {  	_ =	shalt  }
0x59: {  	_ =	shalt  }
0x5a: {  	_ =	shalt  }
0x5b: {  	_ =	shalt  }
0x5c: {  	_ =	shalt  }
0x5d: {  	_ =	shalt  }
0x5e: {  	_ =	shalt  }
0x5f: {  	_ =	shalt  }
0x60: {  	_ =	shalt  }
0x61: {  	_ =	shalt  }
0x62: {  	_ =	shalt  }
0x63: {  	_ =	shalt  }
0x64: {  	_ =	shalt  }
0x65: {  	_ =	shalt  }
0x66: {  	_ =	shalt  }
0x67: {  	_ =	shalt  }
0x68: {  	_ =	shalt  }
0x69: {  	_ =	shalt  }
0x6a: {  	_ =	shalt  }
0x6b: {  	_ =	shalt  }
0x6c: {  	_ =	shalt  }
0x6d: {  	_ =	shalt  }
0x6e: {  	_ =	shalt  }
0x6f: {  	_ =	shalt  }
0x70: {  	_ =	shalt  }
0x71: {  	_ =	shalt  }
0x72: {  	_ =	shalt  }
0x73: {  	_ =	shalt  }
0x74: {  	_ =	shalt  }
0x75: {  	_ =	shalt  }
0x76: {  	_ =	shalt  }
0x77: {  	_ =	shalt  }
0x78: {  	_ =	shalt  }
0x79: {  	_ =	shalt  }
0x7a: {  	_ =	shalt  }
0x7b: {  	_ =	shalt  }
0x7c: {  	_ =	shalt  }
0x7d: {  	_ =	shalt  }
0x7e: {  	_ =	shalt  }
0x7f: {  	_ =	shalt  }
0x80: {  	_ =	shalt  }
0x81: {  	_ =	shalt  }
0x82: {  	_ =	shalt  }
0x83: {  	_ =	shalt  }
0x84: {  	_ =	shalt  }
0x85: {  	_ =	shalt  }
0x86: {  	_ =	shalt  }
0x87: {  	_ =	shalt  }
.Lfunc_end0:
.L_simem_size_0:
called_computation_lowered:
.L_overlay_start_0:
0x88: {  	s2 =	sld [smem:$0x3FD9]  }
0x89: {  	s3 =	sld [smem:$0x3FFE];
	_ =	sdelay $0x1  }
0x8a: {  	s1 =	srdreg.scid  }
0x8b: {  	s0 =	sand.u32 $0x1, s1  }
0x8c: {  	s17 =	sshll.u32 s0, $0xA;
	s2 =	sadd.s32 s3, s2  }
0x8d: {  	s2 =	sadd.s32 s2, s17  }
0x8e: {  	[smem:$0x3FC4] =	sst s2  }
0x8f: {  	_ = 	snop  }
0x90: {  	s2 =	sld [smem:$0x3FD0];
	(tm) =	ssettm $0x1  }
0x91: {  	s18 =	sld [smem:$0x3FFB];
	_ =	sdelay $0x3  }
0x92: {  	_ =	strace s18  }
0x93: {  	s3 =	sld [smem:$0x3FFC];
	_ =	sdelay $0x3  }
0x94: {  	_ =	strace s3  }
0x95: {  	s3 =	sld [smem:$0x3FFD];
	_ =	sdelay $0x3  }
0x96: {  	_ =	strace s3  }
0x97: {  	_ =	strace $0x8FFFFFFF  }
0x98: {  	s19 =	sld [smem:$0x3FDB];
	_ =	sdelay $0x1  }
0x99: {  	s4 =	simm.s32 $_scs_section_size  }
0x9a: {  	s5 =	simm.s32 $_size__tile_overlayer_lowered;
	s6 =	simm.s32 $_tile_overlayer_lowered  }
0x9b: {  	s22 =	simm.s32 $0x1BFF;
	s21 =	sshll.u32 s6, $0x1;
	s3 =	sadd.s32 s4, s19  }
0x9c: {  	s7 =	simm.s32 $0x0;
	s20 =	sshll.u32 s5, $0x1;
	s5 =	sadd.s32 s21, s3  }
0x9d: {  	[timem:s7], [sflag:s22] =	dma.local [hbm:s5], s20  }
0x9e: {  	_ =	swait.ge [sflag:s22], s20  }
0x9f: {  	s4 =	ssub.s32 $0x0, s20;
	[sflag:s22] =	ssyncset.done $0x0  }
0xa0: {  	[sflag:s22] =	ssyncadd.s32 s4;
	_ =	sdelay $0x1  }
0xa1: {  	s23 =	simm.s32 $0x1B8B  }
0xa2: {  	_ =	swait.ge [sflag:s23], $0x1  }
0xa3: {  	[sflag:s23] =	ssyncset.done $0x0  }
0xa4: {  	s25 =	simm.s32 $0x1B8E;
	s24 =	sld [smem:$0x3FFE];
	[sflag:s23] =	ssyncadd.s32 $0xFFFFFFFF  }
0xa5: {  	s26 =	simm.s32 $execute0_lowered;
	[smem:$0x3FD2] =	sst s25  }
0xa6: {  	s5 =	sshll.u32 s26, $0x1;
	_ =	strace $0x80000046;
	[dreg:$0x1] =	wrdreg $0xFFFFFFFF  }
0xa7: {  	s28 =	simm.s32 $_size_execute0_lowered;
	s3 =	sadd.s32 s3, s5;
	[dreg:$0x0] =	wrdreg $0x0  }
0xa8: {  	s5 =	sshll.u32 s28, $0x1;
	[dreg:$0x2] =	wrdreg s3  }
0xa9: {  	[dreg:$0x3] =	wrdreg s5  }
0xaa: {  	[dreg:$0x4] =	wrdreg $0xC0  }
0xab: {  	_ =	task [dreg:s7], $0x5FFFF  }
0xac: {  	[dreg:$0x1] =	wrdreg $0xFFFFFFFF  }
0xad: {  	[dreg:$0x0] =	wrdreg $0x60  }
0xae: {  	[dreg:$0x2] =	wrdreg s2  }
0xaf: {  	[dreg:$0x3] =	wrdreg s24  }
0xb0: {  	[dreg:$0x4] =	wrdreg $0x9  }
0xb1: {  	_ =	task.clear_ibuf [dreg:s7], $0x5FFFF;
	_ =	strace $0x90000046  }
0xb2: {  	s29 =	simm.s32 $0x9;
	_ =	strace $0x80000048  }
0xb3: {  	_ =	swait.ge [sflag:s29], $0x1  }
0xb4: {  	[sflag:s29] =	ssyncadd.s32 $0xFFFFFFFF  }
0xb5: {  	_ =	strace $0x90000048  }
0xb6: {  	_ =	sfence  }
0xb7: {  	s30 =	sld [smem:$0x0];
	_ =	sdelay $0x2  }
0xb8: {  	s31 =	sshll.u32 s1, $0xD;
	s1 =	sshrl.u32 s1, $0x2  }
0xb9: {  	s3 =	sand.u32 $0x4000, s31;
	s1 =	sadd.s32 s1, s30  }
0xba: {  	s0 =	sor.u32 s3, s0;
	s1 =	sshll.u32 s1, $0x11  }
0xbb: {  	s0 =	sor.u32 s1, s0  }
0xbc: {  	s0 =	sadd.s32 $0x8F2B, s0  }
0xbd: {  	[sflag:s0] =	ssyncadd.remote.s32 $0x1  }
0xbe: {  	_ =	sfence.sel $0xFFFF  }
0xbf: {  	[dreg:$0x0] =	wrdreg $0xFFFFFFFF;
	(pc) =	sbr.abs _section_cstart, $3  }
0xc0: {  	[dreg:$0x1] =	wrdreg $0xFFFFFFFF  }
0xc1: {  	_ =	task.clear_ibuf [dreg:s7], $0x2FFFF;
	_ =	strace $0x9FFFFFFF  }
0xc2: {  	(tm) =	ssettm $0x7FFFFFFF  }
0xc3: {  	_ =	shalt  }
tec
execute0_lowered:
.L_overlay_start_1:
0x0: {  	(tag) =	ssettag $0x1  }
0x1: {  	s0 =	srdreg.scid;
	s1 =	rddreg [dreg:$0x0]  }
0x2: {  	s2 =	stileid.u32;
	s4 =	rddreg [dreg:$0x1];
	s25 =	simm.s32 $0xC000  }
0x3: {  	s26 =	simm.s32 $0xC080;
	s16 =	simm.s32 $0x1400;
	s17 =	simm.s32 $0x1800  }
0x4: {  	s18 =	simm.s32 $0x2000;
	s19 =	simm.s32 $0x2400;
	s20 =	simm.s32 $0x2C00  }
0x5: {  	s21 =	simm.s32 $0x3000;
	s28 =	simm.s32 $0x5400;
	s29 =	simm.s32 $0x5C00  }
0x6: {  	s30 =	simm.s32 $0x6000;
	s31 =	simm.s32 $0x6800;
	s7 =	simm.s32 $0x7800  }
0x7: {  	s8 =	simm.s32 $0x8000;
	s9 =	simm.s32 $0x8400;
	s10 =	simm.s32 $0x8C00  }
0x8: {  	s11 =	simm.s32 $0x9000;
	s12 =	simm.s32 $0x9800;
	s13 =	simm.s32 $0x9C00  }
0x9: {  	s0 =	sand.u32 $0x1, s0;
	s3 =	sshll.u32 s2, $0x5;
	s2 =	simm.s32 $0x0  }
0xa: {  	s5 =	sshll.u32 s0, $0x4;
	[smem:$0x7FF] =	sst s2;
	s0 =	ssub.s32 $0x2, s0  }
0xb: {  	s3 =	sor.u32 s5, s3;
	_ =	strace $0x80000047;
	[dreg:$0x6] =	wrdreg s25  }
0xc: {  	s23 =	sshrl.u32 s0, $0x1;
	[dreg:$0x7] =	wrdreg s26;
	s25 =	simm.s32 $0x4800  }
0xd: {  	s26 =	simm.s32 $0x5000;
	s5 =	smul.u32 $0x180, s3;
	s6 =	sadd.s32 s3, s4  }
0xe: {  	s3 =	sadd.s32 $0x10600, s4;
	s0 =	ssub.s32 s0, s23;
	s4 =	sadd.s32 $0x10700, s4  }
0xf: {  	s23 =	simm.s32 $0x3C00;
	s22 =	sadd.s32 $0x10200, s6;
	s24 =	sadd.s32 $0x10400, s6  }
0x10: {  	v2 =	vlaneseq.u32;
	s6 =	simm.s32 $0x3;
	s1 =	sadd.s32 s1, s5;
	[dreg:$0x4] =	wrdreg s22  }
0x11: {  	vm0 =	vmmov $0xffff;
	vm1 =	vmmov $0xff;
	v1 =	vshrl.u32 v2, $0x3;
	[dreg:$0x5] =	wrdreg s24;
	s5 =	smax.u32 s0, $0x1;
	s22 =	simm.s32 $0x3800  }
0x12: {  	v0 =	vand.u32 $0x7, v2;
	v2 =	vor.u32 $0x8, v2;
	v1 =	vmul.u32 $0x8, v1;
	s24 =	simm.s32 $0x4400;
	[dreg:$0x3] =	wrdreg s1;
	s1 =	simm.s32 $0x6C00  }
.LBB2_1:
0x13: {  	s14 =	rddreg [dreg:$0x3]  }
0x14: {  	[tilespmem:s2], [sflag:$0x3] =	stream.linear.gather [hbm4b:s14+s2], $0xC000, $0x38;
	[tilespmem:$0xC100] =	vst v63  }
0x15: {  	_ =	swait.ge [sflag:s6], $0xC000  }
0x16: {  	s0 =	rddreg [dreg:$0x4];
	[sflag:s6] =	ssyncset.done $0x0  }
0x17: {  	s15 =	rddreg [dreg:$0x6];
	[sflag:s6] =	ssyncadd.s32 $0xFFFF4000  }
0x18: {  	[tilespmem:s15], [sflag:$0x3] =	stream.linear.gather [hbm4b:s0+s2], $0x80, $0x38;
	[tilespmem:$0xC100] =	vst v63  }
0x19: {  	_ =	swait.ge [sflag:s6], $0x80  }
0x1a: {  	s15 =	rddreg [dreg:$0x5];
	[sflag:s6] =	ssyncset.done $0x0  }
0x1b: {  	s0 =	rddreg [dreg:$0x7];
	[sflag:s6] =	ssyncadd.s32 $0xFFFFFF80  }
0x1c: {  	[tilespmem:s0], [sflag:$0x3] =	stream.linear.gather [hbm4b:s15+s2], $0x80, $0x38;
	[tilespmem:$0xC100] =	vst v63  }
0x1d: {  	_ =	swait.ge [sflag:s6], $0x80  }
0x1e: {  	[sflag:s6] =	ssyncset.done $0x0  }
0x1f: {  	[sflag:s6] =	ssyncadd.s32 $0xFFFFFF80  }
0x20: {  	v3 =	vld [tilespmem:$0xC000];
	_ =	sdelay $0x4  }
0x21: {  	v4 =	vshrl.u32 v3, $0x3  }
0x22: {  	v4 =	vmul.u32 $0x18, v4  }
0x23: {  	v3 =	vand.u32 $0x7, v3  }
0x24: {  	v3 =	vor.u32 v3, v4  }
0x25: {  	v4 =	vperm.xlane v3, v0;
	_ =	sdelay $0x1  }
0x26: {  	v4 =	vadd.s32 v1, v4;
	_ =	sdelay $0x1  }
0x27: {  	v3 =	vperm.xlane v3, v2;
	_ =	sdelay $0x1  }
0x28: {  	v3 =	vadd.s32 v1, v3  }
0x29: {  	[hbm4b:s3+s2] =	stream.indirect_vreg.scatter [tilespmem:s2], [sflag:$0x1], $0x80, v4, vm0, $0xb8;
	[tilespmem:$0xC100] =	vst v63  }
0x2a: {  	s14 =	simm.s32 $0x800  }
0x2b: {  	[hbm4b:s4+s2] =	stream.indirect_vreg.scatter [tilespmem:s14], [sflag:$0x1], $0x80, v4, vm1, $0xb8;
	[tilespmem:$0xC100] =	vst v63  }
0x2c: {  	s15 =	simm.s32 $0xC00  }
0x2d: {  	[hbm4b:s3+s2] =	stream.indirect_vreg.scatter [tilespmem:s15], [sflag:$0x1], $0x80, v3, vm0, $0xb8;
	[tilespmem:$0xC100] =	vst v63  }
0x2e: {  	_ = 	snop  }
0x2f: {  	[hbm4b:s4+s2] =	stream.indirect_vreg.scatter [tilespmem:s16], [sflag:$0x1], $0x80, v3, vm1, $0xb8;
	[tilespmem:$0xC100] =	vst v63  }
0x30: {  	v3 =	vld [tilespmem:$0xC010];
	_ =	sdelay $0x4  }
0x31: {  	v49 =	vshrl.u32 v3, $0x3  }
0x32: {  	v4 =	vmul.u32 $0x18, v49  }
0x33: {  	v3 =	vand.u32 $0x7, v3  }
0x34: {  	v3 =	vor.u32 v3, v4  }
0x35: {  	v4 =	vperm.xlane v3, v0;
	_ =	sdelay $0x1  }
0x36: {  	v4 =	vadd.s32 v1, v4;
	_ =	sdelay $0x1  }
0x37: {  	v3 =	vperm.xlane v3, v2;
	_ =	sdelay $0x1  }
0x38: {  	v3 =	vadd.s32 v1, v3  }
0x39: {  	[hbm4b:s3+s2] =	stream.indirect_vreg.scatter [tilespmem:s17], [sflag:$0x1], $0x80, v4, vm0, $0xb8;
	[tilespmem:$0xC100] =	vst v63  }
0x3a: {  	_ = 	snop  }
0x3b: {  	[hbm4b:s4+s2] =	stream.indirect_vreg.scatter [tilespmem:s18], [sflag:$0x1], $0x80, v4, vm1, $0xb8;
	[tilespmem:$0xC100] =	vst v63  }
0x3c: {  	_ = 	snop  }
0x3d: {  	[hbm4b:s3+s2] =	stream.indirect_vreg.scatter [tilespmem:s19], [sflag:$0x1], $0x80, v3, vm0, $0xb8;
	[tilespmem:$0xC100] =	vst v63  }
0x3e: {  	_ = 	snop  }
0x3f: {  	[hbm4b:s4+s2] =	stream.indirect_vreg.scatter [tilespmem:s20], [sflag:$0x1], $0x80, v3, vm1, $0xb8;
	[tilespmem:$0xC100] =	vst v63  }
0x40: {  	v3 =	vld [tilespmem:$0xC020];
	_ =	sdelay $0x4  }
0x41: {  	v50 =	vshrl.u32 v3, $0x3  }
0x42: {  	v4 =	vmul.u32 $0x18, v50  }
0x43: {  	v3 =	vand.u32 $0x7, v3  }
0x44: {  	v3 =	vor.u32 v3, v4  }
0x45: {  	v4 =	vperm.xlane v3, v0;
	_ =	sdelay $0x1  }
0x46: {  	v4 =	vadd.s32 v1, v4;
	_ =	sdelay $0x1  }
0x47: {  	v3 =	vperm.xlane v3, v2;
	_ =	sdelay $0x1  }
0x48: {  	v3 =	vadd.s32 v1, v3  }
0x49: {  	[hbm4b:s3+s2] =	stream.indirect_vreg.scatter [tilespmem:s21], [sflag:$0x1], $0x80, v4, vm0, $0xb8;
	[tilespmem:$0xC100] =	vst v63  }
0x4a: {  	_ = 	snop  }
0x4b: {  	[hbm4b:s4+s2] =	stream.indirect_vreg.scatter [tilespmem:s22], [sflag:$0x1], $0x80, v4, vm1, $0xb8;
	[tilespmem:$0xC100] =	vst v63  }
0x4c: {  	_ = 	snop  }
0x4d: {  	[hbm4b:s3+s2] =	stream.indirect_vreg.scatter [tilespmem:s23], [sflag:$0x1], $0x80, v3, vm0, $0xb8;
	[tilespmem:$0xC100] =	vst v63  }
0x4e: {  	_ = 	snop  }
0x4f: {  	[hbm4b:s4+s2] =	stream.indirect_vreg.scatter [tilespmem:s24], [sflag:$0x1], $0x80, v3, vm1, $0xb8;
	[tilespmem:$0xC100] =	vst v63  }
0x50: {  	v3 =	vld [tilespmem:$0xC030];
	_ =	sdelay $0x4  }
0x51: {  	v51 =	vshrl.u32 v3, $0x3  }
0x52: {  	v4 =	vmul.u32 $0x18, v51  }
0x53: {  	v3 =	vand.u32 $0x7, v3  }
0x54: {  	v3 =	vor.u32 v3, v4  }
0x55: {  	v4 =	vperm.xlane v3, v0;
	_ =	sdelay $0x1  }
0x56: {  	v4 =	vadd.s32 v1, v4;
	_ =	sdelay $0x1  }
0x57: {  	v3 =	vperm.xlane v3, v2;
	_ =	sdelay $0x1  }
0x58: {  	v3 =	vadd.s32 v1, v3  }
0x59: {  	[hbm4b:s3+s2] =	stream.indirect_vreg.scatter [tilespmem:s25], [sflag:$0x1], $0x80, v4, vm0, $0xb8;
	[tilespmem:$0xC100] =	vst v63  }
0x5a: {  	_ = 	snop  }
0x5b: {  	[hbm4b:s4+s2] =	stream.indirect_vreg.scatter [tilespmem:s26], [sflag:$0x1], $0x80, v4, vm1, $0xb8;
	[tilespmem:$0xC100] =	vst v63  }
0x5c: {  	_ = 	snop  }
0x5d: {  	[hbm4b:s3+s2] =	stream.indirect_vreg.scatter [tilespmem:s28], [sflag:$0x1], $0x80, v3, vm0, $0xb8;
	[tilespmem:$0xC100] =	vst v63  }
0x5e: {  	_ = 	snop  }
0x5f: {  	[hbm4b:s4+s2] =	stream.indirect_vreg.scatter [tilespmem:s29], [sflag:$0x1], $0x80, v3, vm1, $0xb8;
	[tilespmem:$0xC100] =	vst v63  }
0x60: {  	v3 =	vld [tilespmem:$0xC040];
	_ =	sdelay $0x4  }
0x61: {  	v52 =	vshrl.u32 v3, $0x3  }
0x62: {  	v4 =	vmul.u32 $0x18, v52  }
0x63: {  	v3 =	vand.u32 $0x7, v3  }
0x64: {  	v3 =	vor.u32 v3, v4  }
0x65: {  	v4 =	vperm.xlane v3, v0;
	_ =	sdelay $0x1  }
0x66: {  	v4 =	vadd.s32 v1, v4;
	_ =	sdelay $0x1  }
0x67: {  	v3 =	vperm.xlane v3, v2;
	_ =	sdelay $0x1  }
0x68: {  	v3 =	vadd.s32 v1, v3  }
0x69: {  	[hbm4b:s3+s2] =	stream.indirect_vreg.scatter [tilespmem:s30], [sflag:$0x1], $0x80, v4, vm0, $0xb8;
	[tilespmem:$0xC100] =	vst v63  }
0x6a: {  	_ = 	snop  }
0x6b: {  	[hbm4b:s4+s2] =	stream.indirect_vreg.scatter [tilespmem:s31], [sflag:$0x1], $0x80, v4, vm1, $0xb8;
	[tilespmem:$0xC100] =	vst v63  }
0x6c: {  	_ = 	snop  }
0x6d: {  	[hbm4b:s3+s2] =	stream.indirect_vreg.scatter [tilespmem:s1], [sflag:$0x1], $0x80, v3, vm0, $0xb8;
	[tilespmem:$0xC100] =	vst v63  }
0x6e: {  	s0 =	simm.s32 $0x7400  }
0x6f: {  	[hbm4b:s4+s2] =	stream.indirect_vreg.scatter [tilespmem:s0], [sflag:$0x1], $0x80, v3, vm1, $0xb8;
	[tilespmem:$0xC100] =	vst v63  }
0x70: {  	v3 =	vld [tilespmem:$0xC050];
	_ =	sdelay $0x4  }
0x71: {  	v53 =	vshrl.u32 v3, $0x3  }
0x72: {  	v4 =	vmul.u32 $0x18, v53  }
0x73: {  	v3 =	vand.u32 $0x7, v3  }
0x74: {  	v3 =	vor.u32 v3, v4  }
0x75: {  	v4 =	vperm.xlane v3, v0;
	_ =	sdelay $0x1  }
0x76: {  	v4 =	vadd.s32 v1, v4;
	_ =	sdelay $0x1  }
0x77: {  	v3 =	vperm.xlane v3, v2;
	_ =	sdelay $0x1  }
0x78: {  	v3 =	vadd.s32 v1, v3  }
0x79: {  	[hbm4b:s3+s2] =	stream.indirect_vreg.scatter [tilespmem:s7], [sflag:$0x1], $0x80, v4, vm0, $0xb8;
	[tilespmem:$0xC100] =	vst v63  }
0x7a: {  	_ = 	snop  }
0x7b: {  	[hbm4b:s4+s2] =	stream.indirect_vreg.scatter [tilespmem:s8], [sflag:$0x1], $0x80, v4, vm1, $0xb8;
	[tilespmem:$0xC100] =	vst v63  }
0x7c: {  	_ = 	snop  }
0x7d: {  	[hbm4b:s3+s2] =	stream.indirect_vreg.scatter [tilespmem:s9], [sflag:$0x1], $0x80, v3, vm0, $0xb8;
	[tilespmem:$0xC100] =	vst v63  }
0x7e: {  	_ = 	snop  }
0x7f: {  	[hbm4b:s4+s2] =	stream.indirect_vreg.scatter [tilespmem:s10], [sflag:$0x1], $0x80, v3, vm1, $0xb8;
	[tilespmem:$0xC100] =	vst v63  }
0x80: {  	v3 =	vld [tilespmem:$0xC060];
	_ =	sdelay $0x4  }
0x81: {  	v54 =	vshrl.u32 v3, $0x3  }
0x82: {  	v4 =	vmul.u32 $0x18, v54  }
0x83: {  	v3 =	vand.u32 $0x7, v3  }
0x84: {  	v3 =	vor.u32 v3, v4  }
0x85: {  	v4 =	vperm.xlane v3, v0;
	_ =	sdelay $0x1  }
0x86: {  	v4 =	vadd.s32 v1, v4;
	_ =	sdelay $0x1  }
0x87: {  	v3 =	vperm.xlane v3, v2;
	_ =	sdelay $0x1  }
0x88: {  	v3 =	vadd.s32 v1, v3  }
0x89: {  	[hbm4b:s3+s2] =	stream.indirect_vreg.scatter [tilespmem:s11], [sflag:$0x1], $0x80, v4, vm0, $0xb8;
	[tilespmem:$0xC100] =	vst v63  }
0x8a: {  	_ = 	snop  }
0x8b: {  	[hbm4b:s4+s2] =	stream.indirect_vreg.scatter [tilespmem:s12], [sflag:$0x1], $0x80, v4, vm1, $0xb8;
	[tilespmem:$0xC100] =	vst v63  }
0x8c: {  	_ = 	snop  }
0x8d: {  	[hbm4b:s3+s2] =	stream.indirect_vreg.scatter [tilespmem:s13], [sflag:$0x1], $0x80, v3, vm0, $0xb8;
	[tilespmem:$0xC100] =	vst v63  }
0x8e: {  	s0 =	simm.s32 $0xA400  }
0x8f: {  	[hbm4b:s4+s2] =	stream.indirect_vreg.scatter [tilespmem:s0], [sflag:$0x1], $0x80, v3, vm1, $0xb8;
	[tilespmem:$0xC100] =	vst v63  }
0x90: {  	v3 =	vld [tilespmem:$0xC070];
	_ =	sdelay $0x4  }
0x91: {  	v55 =	vshrl.u32 v3, $0x3  }
0x92: {  	v4 =	vmul.u32 $0x18, v55  }
0x93: {  	v3 =	vand.u32 $0x7, v3  }
0x94: {  	v3 =	vor.u32 v3, v4  }
0x95: {  	v4 =	vperm.xlane v3, v0;
	_ =	sdelay $0x1  }
0x96: {  	v4 =	vadd.s32 v1, v4;
	_ =	sdelay $0x1  }
0x97: {  	v3 =	vperm.xlane v3, v2;
	_ =	sdelay $0x1  }
0x98: {  	s0 =	simm.s32 $0xA800;
	v3 =	vadd.s32 v1, v3  }
0x99: {  	[hbm4b:s3+s2] =	stream.indirect_vreg.scatter [tilespmem:s0], [sflag:$0x1], $0x80, v4, vm0, $0xb8;
	[tilespmem:$0xC100] =	vst v63  }
0x9a: {  	s0 =	simm.s32 $0xB000  }
0x9b: {  	[hbm4b:s4+s2] =	stream.indirect_vreg.scatter [tilespmem:s0], [sflag:$0x1], $0x80, v4, vm1, $0xb8;
	[tilespmem:$0xC100] =	vst v63  }
0x9c: {  	s0 =	simm.s32 $0xB400  }
0x9d: {  	[hbm4b:s3+s2] =	stream.indirect_vreg.scatter [tilespmem:s0], [sflag:$0x1], $0x80, v3, vm0, $0xb8;
	[tilespmem:$0xC100] =	vst v63  }
0x9e: {  	s0 =	simm.s32 $0xBC00  }
0x9f: {  	[hbm4b:s4+s2] =	stream.indirect_vreg.scatter [tilespmem:s0], [sflag:$0x1], $0x80, v3, vm1, $0xb8;
	[tilespmem:$0xC100] =	vst v63  }
0xa0: {  	v3 =	vld [tilespmem:$0xC080];
	_ =	sdelay $0x4  }
0xa1: {  	v56 =	vshrl.u32 v3, $0x3  }
0xa2: {  	v4 =	vmul.u32 $0x18, v56  }
0xa3: {  	v3 =	vand.u32 $0x7, v3  }
0xa4: {  	v3 =	vor.u32 v3, v4  }
0xa5: {  	v4 =	vperm.xlane v3, v0;
	_ =	sdelay $0x1  }
0xa6: {  	v4 =	vadd.s32 v1, v4;
	_ =	sdelay $0x1  }
0xa7: {  	v3 =	vperm.xlane v3, v2;
	_ =	sdelay $0x1  }
0xa8: {  	v3 =	vadd.s32 v1, v3  }
0xa9: {  	[hbm4b:s3+s2] =	stream.indirect_vreg.scatter [tilespmem:s2], [sflag:$0x2], $0x80, v4, vm0, $0xb8;
	[tilespmem:$0xC100] =	vst v63  }
0xaa: {  	_ = 	snop  }
0xab: {  	[hbm4b:s4+s2] =	stream.indirect_vreg.scatter [tilespmem:s14], [sflag:$0x2], $0x80, v4, vm1, $0xb8;
	[tilespmem:$0xC100] =	vst v63  }
0xac: {  	_ = 	snop  }
0xad: {  	[hbm4b:s3+s2] =	stream.indirect_vreg.scatter [tilespmem:s15], [sflag:$0x2], $0x80, v3, vm0, $0xb8;
	[tilespmem:$0xC100] =	vst v63  }
0xae: {  	_ = 	snop  }
0xaf: {  	[hbm4b:s4+s2] =	stream.indirect_vreg.scatter [tilespmem:s16], [sflag:$0x2], $0x80, v3, vm1, $0xb8;
	[tilespmem:$0xC100] =	vst v63  }
0xb0: {  	v3 =	vld [tilespmem:$0xC090];
	_ =	sdelay $0x4  }
0xb1: {  	v57 =	vshrl.u32 v3, $0x3  }
0xb2: {  	v4 =	vmul.u32 $0x18, v57  }
0xb3: {  	v3 =	vand.u32 $0x7, v3  }
0xb4: {  	v3 =	vor.u32 v3, v4  }
0xb5: {  	v4 =	vperm.xlane v3, v0;
	_ =	sdelay $0x1  }
0xb6: {  	v4 =	vadd.s32 v1, v4;
	_ =	sdelay $0x1  }
0xb7: {  	v3 =	vperm.xlane v3, v2;
	_ =	sdelay $0x1  }
0xb8: {  	v3 =	vadd.s32 v1, v3  }
0xb9: {  	[hbm4b:s3+s2] =	stream.indirect_vreg.scatter [tilespmem:s17], [sflag:$0x2], $0x80, v4, vm0, $0xb8;
	[tilespmem:$0xC100] =	vst v63  }
0xba: {  	_ = 	snop  }
0xbb: {  	[hbm4b:s4+s2] =	stream.indirect_vreg.scatter [tilespmem:s18], [sflag:$0x2], $0x80, v4, vm1, $0xb8;
	[tilespmem:$0xC100] =	vst v63  }
0xbc: {  	_ = 	snop  }
0xbd: {  	[hbm4b:s3+s2] =	stream.indirect_vreg.scatter [tilespmem:s19], [sflag:$0x2], $0x80, v3, vm0, $0xb8;
	[tilespmem:$0xC100] =	vst v63  }
0xbe: {  	_ = 	snop  }
0xbf: {  	[hbm4b:s4+s2] =	stream.indirect_vreg.scatter [tilespmem:s20], [sflag:$0x2], $0x80, v3, vm1, $0xb8;
	[tilespmem:$0xC100] =	vst v63  }
0xc0: {  	v3 =	vld [tilespmem:$0xC0A0];
	_ =	sdelay $0x4  }
0xc1: {  	v58 =	vshrl.u32 v3, $0x3  }
0xc2: {  	v4 =	vmul.u32 $0x18, v58  }
0xc3: {  	v3 =	vand.u32 $0x7, v3  }
0xc4: {  	v3 =	vor.u32 v3, v4  }
0xc5: {  	v4 =	vperm.xlane v3, v0;
	_ =	sdelay $0x1  }
0xc6: {  	v4 =	vadd.s32 v1, v4;
	_ =	sdelay $0x1  }
0xc7: {  	v3 =	vperm.xlane v3, v2;
	_ =	sdelay $0x1  }
0xc8: {  	v3 =	vadd.s32 v1, v3  }
0xc9: {  	[hbm4b:s3+s2] =	stream.indirect_vreg.scatter [tilespmem:s21], [sflag:$0x2], $0x80, v4, vm0, $0xb8;
	[tilespmem:$0xC100] =	vst v63  }
0xca: {  	_ = 	snop  }
0xcb: {  	[hbm4b:s4+s2] =	stream.indirect_vreg.scatter [tilespmem:s22], [sflag:$0x2], $0x80, v4, vm1, $0xb8;
	[tilespmem:$0xC100] =	vst v63  }
0xcc: {  	_ = 	snop  }
0xcd: {  	[hbm4b:s3+s2] =	stream.indirect_vreg.scatter [tilespmem:s23], [sflag:$0x2], $0x80, v3, vm0, $0xb8;
	[tilespmem:$0xC100] =	vst v63  }
0xce: {  	_ = 	snop  }
0xcf: {  	[hbm4b:s4+s2] =	stream.indirect_vreg.scatter [tilespmem:s24], [sflag:$0x2], $0x80, v3, vm1, $0xb8;
	[tilespmem:$0xC100] =	vst v63  }
0xd0: {  	v3 =	vld [tilespmem:$0xC0B0];
	_ =	sdelay $0x4  }
0xd1: {  	v59 =	vshrl.u32 v3, $0x3  }
0xd2: {  	v4 =	vmul.u32 $0x18, v59  }
0xd3: {  	v3 =	vand.u32 $0x7, v3  }
0xd4: {  	v3 =	vor.u32 v3, v4  }
0xd5: {  	v4 =	vperm.xlane v3, v0;
	_ =	sdelay $0x1  }
0xd6: {  	v4 =	vadd.s32 v1, v4;
	_ =	sdelay $0x1  }
0xd7: {  	v3 =	vperm.xlane v3, v2;
	_ =	sdelay $0x1  }
0xd8: {  	v3 =	vadd.s32 v1, v3  }
0xd9: {  	[hbm4b:s3+s2] =	stream.indirect_vreg.scatter [tilespmem:s25], [sflag:$0x2], $0x80, v4, vm0, $0xb8;
	[tilespmem:$0xC100] =	vst v63  }
0xda: {  	_ = 	snop  }
0xdb: {  	[hbm4b:s4+s2] =	stream.indirect_vreg.scatter [tilespmem:s26], [sflag:$0x2], $0x80, v4, vm1, $0xb8;
	[tilespmem:$0xC100] =	vst v63  }
0xdc: {  	_ = 	snop  }
0xdd: {  	[hbm4b:s3+s2] =	stream.indirect_vreg.scatter [tilespmem:s28], [sflag:$0x2], $0x80, v3, vm0, $0xb8;
	[tilespmem:$0xC100] =	vst v63  }
0xde: {  	_ = 	snop  }
0xdf: {  	[hbm4b:s4+s2] =	stream.indirect_vreg.scatter [tilespmem:s29], [sflag:$0x2], $0x80, v3, vm1, $0xb8;
	[tilespmem:$0xC100] =	vst v63  }
0xe0: {  	v3 =	vld [tilespmem:$0xC0C0];
	_ =	sdelay $0x4  }
0xe1: {  	v60 =	vshrl.u32 v3, $0x3  }
0xe2: {  	v4 =	vmul.u32 $0x18, v60  }
0xe3: {  	v3 =	vand.u32 $0x7, v3  }
0xe4: {  	v3 =	vor.u32 v3, v4  }
0xe5: {  	v4 =	vperm.xlane v3, v0;
	_ =	sdelay $0x1  }
0xe6: {  	v4 =	vadd.s32 v1, v4;
	_ =	sdelay $0x1  }
0xe7: {  	v3 =	vperm.xlane v3, v2;
	_ =	sdelay $0x1  }
0xe8: {  	v3 =	vadd.s32 v1, v3  }
0xe9: {  	[hbm4b:s3+s2] =	stream.indirect_vreg.scatter [tilespmem:s30], [sflag:$0x2], $0x80, v4, vm0, $0xb8;
	[tilespmem:$0xC100] =	vst v63  }
0xea: {  	_ = 	snop  }
0xeb: {  	[hbm4b:s4+s2] =	stream.indirect_vreg.scatter [tilespmem:s31], [sflag:$0x2], $0x80, v4, vm1, $0xb8;
	[tilespmem:$0xC100] =	vst v63  }
0xec: {  	_ = 	snop  }
0xed: {  	[hbm4b:s3+s2] =	stream.indirect_vreg.scatter [tilespmem:s1], [sflag:$0x2], $0x80, v3, vm0, $0xb8;
	[tilespmem:$0xC100] =	vst v63  }
0xee: {  	s14 =	simm.s32 $0x7400  }
0xef: {  	[hbm4b:s4+s2] =	stream.indirect_vreg.scatter [tilespmem:s14], [sflag:$0x2], $0x80, v3, vm1, $0xb8;
	[tilespmem:$0xC100] =	vst v63  }
0xf0: {  	v3 =	vld [tilespmem:$0xC0D0];
	_ =	sdelay $0x4  }
0xf1: {  	v61 =	vshrl.u32 v3, $0x3  }
0xf2: {  	v4 =	vmul.u32 $0x18, v61  }
0xf3: {  	v3 =	vand.u32 $0x7, v3  }
0xf4: {  	v3 =	vor.u32 v3, v4  }
0xf5: {  	v4 =	vperm.xlane v3, v0;
	_ =	sdelay $0x1  }
0xf6: {  	v4 =	vadd.s32 v1, v4;
	_ =	sdelay $0x1  }
0xf7: {  	v3 =	vperm.xlane v3, v2;
	_ =	sdelay $0x1  }
0xf8: {  	v3 =	vadd.s32 v1, v3  }
0xf9: {  	[hbm4b:s3+s2] =	stream.indirect_vreg.scatter [tilespmem:s7], [sflag:$0x2], $0x80, v4, vm0, $0xb8;
	[tilespmem:$0xC100] =	vst v63  }
0xfa: {  	_ = 	snop  }
0xfb: {  	[hbm4b:s4+s2] =	stream.indirect_vreg.scatter [tilespmem:s8], [sflag:$0x2], $0x80, v4, vm1, $0xb8;
	[tilespmem:$0xC100] =	vst v63  }
0xfc: {  	_ = 	snop  }
0xfd: {  	[hbm4b:s3+s2] =	stream.indirect_vreg.scatter [tilespmem:s9], [sflag:$0x2], $0x80, v3, vm0, $0xb8;
	[tilespmem:$0xC100] =	vst v63  }
0xfe: {  	_ = 	snop  }
0xff: {  	[hbm4b:s4+s2] =	stream.indirect_vreg.scatter [tilespmem:s10], [sflag:$0x2], $0x80, v3, vm1, $0xb8;
	[tilespmem:$0xC100] =	vst v63  }
0x100: {  	v3 =	vld [tilespmem:$0xC0E0];
	_ =	sdelay $0x4  }
0x101: {  	v62 =	vshrl.u32 v3, $0x3  }
0x102: {  	v4 =	vmul.u32 $0x18, v62  }
0x103: {  	v3 =	vand.u32 $0x7, v3  }
0x104: {  	v3 =	vor.u32 v3, v4  }
0x105: {  	v4 =	vperm.xlane v3, v0;
	_ =	sdelay $0x1  }
0x106: {  	v4 =	vadd.s32 v1, v4;
	_ =	sdelay $0x1  }
0x107: {  	v3 =	vperm.xlane v3, v2;
	_ =	sdelay $0x1  }
0x108: {  	v3 =	vadd.s32 v1, v3  }
0x109: {  	[hbm4b:s3+s2] =	stream.indirect_vreg.scatter [tilespmem:s11], [sflag:$0x2], $0x80, v4, vm0, $0xb8;
	[tilespmem:$0xC100] =	vst v63  }
0x10a: {  	_ = 	snop  }
0x10b: {  	[hbm4b:s4+s2] =	stream.indirect_vreg.scatter [tilespmem:s12], [sflag:$0x2], $0x80, v4, vm1, $0xb8;
	[tilespmem:$0xC100] =	vst v63  }
0x10c: {  	_ = 	snop  }
0x10d: {  	[hbm4b:s3+s2] =	stream.indirect_vreg.scatter [tilespmem:s13], [sflag:$0x2], $0x80, v3, vm0, $0xb8;
	[tilespmem:$0xC100] =	vst v63  }
0x10e: {  	s15 =	simm.s32 $0xA400  }
0x10f: {  	[hbm4b:s4+s2] =	stream.indirect_vreg.scatter [tilespmem:s15], [sflag:$0x2], $0x80, v3, vm1, $0xb8;
	[tilespmem:$0xC100] =	vst v63  }
0x110: {  	v3 =	vld [tilespmem:$0xC0F0];
	_ =	sdelay $0x4  }
0x111: {  	v63 =	vshrl.u32 v3, $0x3  }
0x112: {  	v4 =	vmul.u32 $0x18, v63  }
0x113: {  	v3 =	vand.u32 $0x7, v3  }
0x114: {  	v3 =	vor.u32 v3, v4  }
0x115: {  	v4 =	vperm.xlane v3, v0;
	_ =	sdelay $0x1  }
0x116: {  	v4 =	vadd.s32 v1, v4;
	_ =	sdelay $0x1  }
0x117: {  	v3 =	vperm.xlane v3, v2;
	_ =	sdelay $0x1  }
0x118: {  	s14 =	simm.s32 $0xA800;
	v3 =	vadd.s32 v1, v3  }
0x119: {  	[hbm4b:s3+s2] =	stream.indirect_vreg.scatter [tilespmem:s14], [sflag:$0x2], $0x80, v4, vm0, $0xb8;
	[tilespmem:$0xC100] =	vst v63  }
0x11a: {  	s15 =	simm.s32 $0xB000  }
0x11b: {  	[hbm4b:s4+s2] =	stream.indirect_vreg.scatter [tilespmem:s15], [sflag:$0x2], $0x80, v4, vm1, $0xb8;
	[tilespmem:$0xC100] =	vst v63  }
0x11c: {  	s14 =	simm.s32 $0xB400  }
0x11d: {  	[hbm4b:s3+s2] =	stream.indirect_vreg.scatter [tilespmem:s14], [sflag:$0x2], $0x80, v3, vm0, $0xb8;
	[tilespmem:$0xC100] =	vst v63  }
0x11e: {  	s15 =	simm.s32 $0xBC00;
	s14 =	simm.s32 $0x1  }
0x11f: {  	[hbm4b:s4+s2] =	stream.indirect_vreg.scatter [tilespmem:s15], [sflag:$0x2], $0x80, v3, vm1, $0xb8;
	[tilespmem:$0xC100] =	vst v63  }
0x120: {  	p0 =	sne.s32 s5, $0x1;
	_ =	swait.ge [sflag:s14], $0xC000  }
.Ltmp0:
0x121: {  	[sflag:s14] =	ssyncset.done $0x0;
	(pc) =	sbr.rel @p0 .LBB2_1-.Ltmp0, $4  }
0x122: {  	s15 =	simm.s32 $0x2;
	[sflag:s14] =	ssyncadd.s32 $0xFFFF4000  }
0x123: {  	_ =	swait.ge [sflag:s15], $0xC000  }
0x124: {  	[sflag:s15] =	ssyncset.done $0x0  }
0x125: {  	s5 =	sadd.s32 $0xFFFFFFFF, s5;
	[sflag:s15] =	ssyncadd.s32 $0xFFFF4000  }
0x126: {  	_ =	sfence.sel $0x180000  }
0x127: {  	[bflag:$0x0] =	sbarrier.arrive $0xFFFF  }
0x128: {  	_ =	strace $0x90000047  }
0x129: {  	s0 =	stileid.u32;
	[bflag:$0x2] =	sbarrier.arrive $0xFFFF  }
0x12a: {  	p0 =	sne.s32 s0, $0x0;
	s0 =	rddreg [dreg:$0x2]  }
0x12b: {  	s0 =	sadd.s32 @!p0 $0x100000, s0  }
0x12c: {  	[sflag:s0] =	ssyncadd.tile.s32 @!p0 $0x1;
	_ =	shalt  }
.Lfunc_end2:
_tile_overlayer_lowered:
.L_overlay_start_2:
0x12d: {  	(tag) =	ssettag $0x2  }
0x12e: {  	s0 =	rddreg [dreg:$0x0];
	s2 =	stileid.u32  }
0x12f: {  	s1 =	rddreg [dreg:$0x1];
	p0 =	sne.s32 s2, $0x0  }
0x130: {  	s3 =	rddreg [dreg:$0x2];
	[bflag:$0x3] =	sbarrier.arrive $0xFFFF;
	s2 =	simm.s32 @!p0 $0x1C03  }
0x131: {  	[timem:s3], [sflag:s2] =	dma.local @!p0 [hbm:s0], s1  }
0x132: {  	s0 =	simm.s32 @!p0 $0x3  }
0x133: {  	_ =	swait.ge @!p0 [sflag:s0], s1  }
0x134: {  	s1 =	ssub.s32 @!p0 $0x0, s1;
	[sflag:s0] =	ssyncset.done @!p0 $0x0  }
0x135: {  	[sflag:s0] =	ssyncadd.s32 @!p0 s1  }
0x136: {  	[bflag:$0x3] =	sbarrier.arrive $0xFFFF  }
0x137: {  	_ =	shalt  }

</sc_bundles>
